<compile_context>
chip_gen: v7x
topology: tpu7x:2x2x1
jax: 0.10.2.dev20260603
libtpu: 0.0.44.dev20260713+nightly
codegen_flags: <defaults>
</compile_context>

<pallas_src>
import functools

import jax
import jax.numpy as jnp
from jax import lax
from jax.experimental import pallas as pl
from jax.experimental.pallas import tpu as pltpu
from jax.experimental.pallas import tpu_sc as plsc

D = 128
NC, NS = 2, 16
NW = NC * NS
CH = 128
NBUF = 7
LAG = 5


def _make_gather(b: int, s: int):
    assert b % (NW * CH) == 0
    b_per_w = b // NW
    nq = b_per_w // CH
    chunks = s * nq
    n_pass = -(-(chunks + NBUF) // NBUF)
    mesh = plsc.VectorSubcoreMesh(core_axis_name="c", subcore_axis_name="s")

    @functools.partial(
        pl.kernel,
        mesh=mesh,
        out_type=jax.ShapeDtypeStruct((s, b, D), jnp.float32),
        scratch_types=[
            pltpu.VMEM((chunks, CH), jnp.int32),
            pltpu.VMEM((NBUF, CH, D), jnp.float32),
        ]
        + [pltpu.SemaphoreType.DMA] * (2 * NBUF),
    )
    def gather(table_hbm, idx_hbm, out_hbm, idx_v, rows_v, *sems):
        gsem, wsem = sems[:NBUF], sems[NBUF:]
        wid = lax.axis_index("s") * NC + lax.axis_index("c")
        pltpu.sync_copy(idx_hbm.at[wid], idx_v)
        base_b = wid * b_per_w

        def g_copy(u, buf):
            return pltpu.make_async_copy(
                table_hbm.at[idx_v.at[u]], rows_v.at[buf], gsem[buf]
            )

        def w_copy(u, buf):
            sj = u // nq
            b0 = base_b + (u % nq) * CH
            return pltpu.make_async_copy(
                rows_v.at[buf], out_hbm.at[sj, pl.ds(b0, CH)], wsem[buf]
            )

        def pass_body(i, carry):
            j = i * NBUF
            for b in range(NBUF):
                u = j + b

                @pl.when(jnp.logical_and(u >= NBUF, u < chunks + NBUF))
                def _():
                    w_copy(u - NBUF, b).wait()

                @pl.when(u < chunks)
                def _():
                    g_copy(u, b).start()

                um = u - LAG
                bm = (b - LAG) % NBUF

                @pl.when(jnp.logical_and(um >= 0, um < chunks))
                def _():
                    g_copy(um, bm).wait()
                    w_copy(um, bm).start()

            return carry

        lax.fori_loop(0, n_pass, pass_body, 0)

    return gather


def kernel(input, indices):
    b, s = indices.shape
    idx = (
        indices.astype(jnp.int32)
        .reshape(NW, (b // NW) // CH, CH, s)
        .transpose(0, 3, 1, 2)
        .reshape(NW, s * ((b // NW) // CH), CH)
    )
    out_t = _make_gather(b, s)(input, idx)
    return out_t.transpose(1, 0, 2)

# --- scband reference (transcript-rebuilt; emitter-appended) ---
"""Pipeline reference for scband-index-module-9457517986215 (READ-ONLY COPY).

The authoritative reference and input builder live on the scoring server;
editing this copy changes nothing except your own understanding.
"""

import jax, jax.numpy as jnp
import numpy as np


def setup_inputs(seed: int = 0) -> dict:
    key = jax.random.key(seed)
    k1, k2 = jax.random.split(key)
    table = jax.random.normal(k1, (100000, 128), dtype=jnp.float32)
    indices = jax.random.randint(k2, (16384, 26), 0, 100000, dtype=jnp.int64)
    return {"input": table, "indices": indices}


def reference(input, indices):
    # torch.embedding(weight, indices) == row-gather from the table
    return jnp.take(input, indices, axis=0)

if __name__ == "__main__":
    import jax
    _d = setup_inputs()
    print(jax.jit(kernel)(*tuple(_d.values())))

</pallas_src>

<mosaic_0001>
#map = affine_map<(d0, d1) -> (0, 0)>
#map1 = affine_map<(d0, d1) -> (0, 0, 0)>
module attributes {stable_mosaic.version = 14 : i64} {
  func.func @gather(%arg0: i32, %arg1: i32, %arg2: memref<100000x128xf32, #tpu.memory_space<hbm>>, %arg3: memref<32x104x128xi32, #tpu.memory_space<hbm>>, %arg4: memref<26x16384x128xf32, #tpu.memory_space<hbm>>, %arg5: memref<104x128xi32, #tpu.memory_space<vmem>>, %arg6: memref<7x128x128xf32, #tpu.memory_space<vmem>>, %arg7: memref<!tpu.dma_semaphore, #tpu.memory_space<semaphore_mem>>, %arg8: memref<!tpu.dma_semaphore, #tpu.memory_space<semaphore_mem>>, %arg9: memref<!tpu.dma_semaphore, #tpu.memory_space<semaphore_mem>>, %arg10: memref<!tpu.dma_semaphore, #tpu.memory_space<semaphore_mem>>, %arg11: memref<!tpu.dma_semaphore, #tpu.memory_space<semaphore_mem>>, %arg12: memref<!tpu.dma_semaphore, #tpu.memory_space<semaphore_mem>>, %arg13: memref<!tpu.dma_semaphore, #tpu.memory_space<semaphore_mem>>, %arg14: memref<!tpu.dma_semaphore, #tpu.memory_space<semaphore_mem>>, %arg15: memref<!tpu.dma_semaphore, #tpu.memory_space<semaphore_mem>>, %arg16: memref<!tpu.dma_semaphore, #tpu.memory_space<semaphore_mem>>, %arg17: memref<!tpu.dma_semaphore, #tpu.memory_space<semaphore_mem>>, %arg18: memref<!tpu.dma_semaphore, #tpu.memory_space<semaphore_mem>>, %arg19: memref<!tpu.dma_semaphore, #tpu.memory_space<semaphore_mem>>, %arg20: memref<!tpu.dma_semaphore, #tpu.memory_space<semaphore_mem>>) attributes {dimension_semantics = [#tpu.dimension_semantics<core_parallel>, #tpu.dimension_semantics<subcore_parallel>], iteration_bounds = array<i64: 2, 16>, scalar_prefetch = 0 : i64, scratch_operands = 16 : i64, tpu.core_type = #tpu.core_type<sc_vector_subcore>, window_params = [{transform_indices = #map}, {transform_indices = #map1}, {transform_indices = #map1}]} {
    %mul3A = arith.constant 2 : i32
    %mul3A_0 = arith.muli %arg1, %mul3A : i32
    %add3A = arith.addi %mul3A_0, %arg0 : i32
    "tpu.region"() ({
      %run_scoped3A = tpu.sem_alloc : memref<!tpu.dma_semaphore, #tpu.memory_space<semaphore_mem>>
      %dma_start3A = arith.constant 0 : i32
      %dma_start3A_8 = arith.constant 0 : i32
      %dma_start3A_9 = tpu.memref_slice %arg3[%add3A, %dma_start3A, %dma_start3A_8] : memref<32x104x128xi32, #tpu.memory_space<hbm>> -> memref<1x104x128xi32, #tpu.memory_space<hbm>>
      %dma_start3A_10 = tpu.memref_squeeze %dma_start3A_9 : memref<1x104x128xi32, #tpu.memory_space<hbm>> -> memref<104x128xi32, #tpu.memory_space<hbm>>
      %dma_start3A_11 = arith.constant 0 : i32
      %dma_start3A_12 = arith.constant 0 : i32
      %dma_start3A_13 = tpu.memref_slice %arg3[%add3A, %dma_start3A_11, %dma_start3A_12] : memref<32x104x128xi32, #tpu.memory_space<hbm>> -> memref<1x104x128xi32, #tpu.memory_space<hbm>>
      %dma_start3A_14 = tpu.memref_squeeze %dma_start3A_13 : memref<1x104x128xi32, #tpu.memory_space<hbm>> -> memref<104x128xi32, #tpu.memory_space<hbm>>
      tpu.enqueue_dma source(%dma_start3A_14 : memref<104x128xi32, #tpu.memory_space<hbm>>) target(%arg5 : memref<104x128xi32, #tpu.memory_space<vmem>>) target_semaphore(%run_scoped3A : memref<!tpu.dma_semaphore, #tpu.memory_space<semaphore_mem>>)
      %dma_wait3A = arith.constant 0 : i32
      %dma_wait3A_15 = arith.constant 0 : i32
      %dma_wait3A_16 = tpu.memref_slice %arg3[%add3A, %dma_wait3A, %dma_wait3A_15] : memref<32x104x128xi32, #tpu.memory_space<hbm>> -> memref<1x104x128xi32, #tpu.memory_space<hbm>>
      %dma_wait3A_17 = tpu.memref_squeeze %dma_wait3A_16 : memref<1x104x128xi32, #tpu.memory_space<hbm>> -> memref<104x128xi32, #tpu.memory_space<hbm>>
      %dma_wait3A_18 = arith.constant 0 : i32
      %dma_wait3A_19 = arith.constant 0 : i32
      %dma_wait3A_20 = tpu.memref_slice %arg3[%add3A, %dma_wait3A_18, %dma_wait3A_19] : memref<32x104x128xi32, #tpu.memory_space<hbm>> -> memref<1x104x128xi32, #tpu.memory_space<hbm>>
      %dma_wait3A_21 = tpu.memref_squeeze %dma_wait3A_20 : memref<1x104x128xi32, #tpu.memory_space<hbm>> -> memref<104x128xi32, #tpu.memory_space<hbm>>
      tpu.wait_dma2 semaphore(%run_scoped3A : memref<!tpu.dma_semaphore, #tpu.memory_space<semaphore_mem>>) src(%dma_wait3A_21 : memref<104x128xi32, #tpu.memory_space<hbm>>) dst(%arg5 : memref<104x128xi32, #tpu.memory_space<vmem>>)
      tpu.yield
    }) : () -> ()
    %mul3A_1 = arith.constant 512 : i32
    %mul3A_2 = arith.muli %add3A, %mul3A_1 : i32
    %scan3A = arith.constant 0 : i32
    %scan3A_3 = arith.constant 0 : i32
    %scan3A_4 = arith.constant 16 : i32
    %scan3A_5 = arith.addi %scan3A_3, %scan3A_4 : i32
    %scan3A_6 = arith.constant 1 : i32
    scf.for %scan3A_8 = %scan3A_3 to %scan3A_5 step %scan3A_6  : i32 {
      %mul3A_9 = arith.constant 7 : i32
      %mul3A_10 = arith.muli %scan3A_8, %mul3A_9 : i32
      %add3A_11 = arith.constant 0 : i32
      %add3A_12 = arith.addi %mul3A_10, %add3A_11 : i32
      %ge3A = arith.constant 7 : i32
      %ge3A_13 = arith.cmpi sge, %add3A_12, %ge3A : i32
      %lt3A = arith.constant 111 : i32
      %lt3A_14 = arith.cmpi slt, %add3A_12, %lt3A : i32
      %and3A = arith.andi %ge3A_13, %lt3A_14 : i1
      %convert_element_type3A = arith.extui %and3A : i1 to i32
      %cond3A = arith.constant 0 : i32
      %cond3A_15 = arith.cmpi ne, %convert_element_type3A, %cond3A : i32
      scf.if %cond3A_15 {
        %sub3A_180 = arith.constant 7 : i32
        %sub3A_181 = arith.subi %add3A_12, %sub3A_180 : i32
        %jit3A = arith.constant 4 : i32
        %div3A = arith.divsi %sub3A_181, %jit3A : i32
        %sign3A = arith.constant 0 : i32
        %sign3A_182 = arith.cmpi sgt, %sub3A_181, %sign3A : i32
        %sign3A_183 = arith.extui %sign3A_182 : i1 to i32
        %sign3A_184 = arith.constant 0 : i32
        %sign3A_185 = arith.cmpi slt, %sub3A_181, %sign3A_184 : i32
        %sign3A_186 = arith.extui %sign3A_185 : i1 to i32
        %sign3A_187 = arith.subi %sign3A_183, %sign3A_186 : i32
        %sign3A_188 = arith.constant 0 : i32
        %sign3A_189 = arith.cmpi sgt, %jit3A, %sign3A_188 : i32
        %sign3A_190 = arith.extui %sign3A_189 : i1 to i32
        %sign3A_191 = arith.constant 0 : i32
        %sign3A_192 = arith.cmpi slt, %jit3A, %sign3A_191 : i32
        %sign3A_193 = arith.extui %sign3A_192 : i1 to i32
        %sign3A_194 = arith.subi %sign3A_190, %sign3A_193 : i32
        %ne3A = arith.cmpi ne, %sign3A_187, %sign3A_194 : i32
        %rem3A = arith.remsi %sub3A_181, %jit3A : i32
        %ne3A_195 = arith.constant 0 : i32
        %ne3A_196 = arith.cmpi ne, %rem3A, %ne3A_195 : i32
        %and3A_197 = arith.andi %ne3A, %ne3A_196 : i1
        %sub3A_198 = arith.constant 1 : i32
        %sub3A_199 = arith.subi %div3A, %sub3A_198 : i32
        %select_n3A = arith.select %and3A_197, %sub3A_199, %div3A : i32
        %jit3A_200 = arith.constant 4 : i32
        %eq3A = arith.constant 0 : i32
        %eq3A_201 = arith.cmpi eq, %jit3A_200, %eq3A : i32
        %jit3A_202 = arith.constant 1 : i32
        %select_n3A_203 = arith.select %eq3A_201, %jit3A_202, %jit3A_200 : i32
        %rem3A_204 = arith.remsi %sub3A_181, %select_n3A_203 : i32
        %ne3A_205 = arith.constant 0 : i32
        %ne3A_206 = arith.cmpi ne, %rem3A_204, %ne3A_205 : i32
        %lt3A_207 = arith.constant 0 : i32
        %lt3A_208 = arith.cmpi slt, %rem3A_204, %lt3A_207 : i32
        %lt3A_209 = arith.constant 0 : i32
        %lt3A_210 = arith.cmpi slt, %select_n3A_203, %lt3A_209 : i32
        %ne3A_211 = arith.xori %lt3A_208, %lt3A_210 : i1
        %and3A_212 = arith.andi %ne3A_211, %ne3A_206 : i1
        %add3A_213 = arith.addi %rem3A_204, %select_n3A_203 : i32
        %select_n3A_214 = arith.select %and3A_212, %add3A_213, %rem3A_204 : i32
        %mul3A_215 = arith.constant 128 : i32
        %mul3A_216 = arith.muli %select_n3A_214, %mul3A_215 : i32
        %add3A_217 = arith.addi %mul3A_2, %mul3A_216 : i32
        %dma_wait3A = arith.constant 0 : i32
        %dma_wait3A_218 = arith.constant 0 : i32
        %dma_wait3A_219 = arith.constant 0 : i32
        %dma_wait3A_220 = tpu.memref_slice %arg6[%dma_wait3A, %dma_wait3A_218, %dma_wait3A_219] : memref<7x128x128xf32, #tpu.memory_space<vmem>> -> memref<1x128x128xf32, #tpu.memory_space<vmem>>
        %dma_wait3A_221 = tpu.memref_squeeze %dma_wait3A_220 : memref<1x128x128xf32, #tpu.memory_space<vmem>> -> memref<128x128xf32, #tpu.memory_space<vmem>>
        %dma_wait3A_222 = arith.constant 0 : i32
        %dma_wait3A_223 = tpu.memref_slice %arg4[%select_n3A, %add3A_217, %dma_wait3A_222] : memref<26x16384x128xf32, #tpu.memory_space<hbm>> -> memref<1x128x128xf32, #tpu.memory_space<hbm>>
        %dma_wait3A_224 = tpu.memref_squeeze %dma_wait3A_223 : memref<1x128x128xf32, #tpu.memory_space<hbm>> -> memref<128x128xf32, #tpu.memory_space<hbm>>
        %dma_wait3A_225 = arith.constant 0 : i32
        %dma_wait3A_226 = tpu.memref_slice %arg4[%select_n3A, %add3A_217, %dma_wait3A_225] : memref<26x16384x128xf32, #tpu.memory_space<hbm>> -> memref<1x128x128xf32, #tpu.memory_space<hbm>>
        %dma_wait3A_227 = tpu.memref_squeeze %dma_wait3A_226 : memref<1x128x128xf32, #tpu.memory_space<hbm>> -> memref<128x128xf32, #tpu.memory_space<hbm>>
        %dma_wait3A_228 = arith.constant 0 : i32
        %dma_wait3A_229 = arith.constant 0 : i32
        %dma_wait3A_230 = tpu.memref_slice %arg6[%dma_wait3A, %dma_wait3A_228, %dma_wait3A_229] : memref<7x128x128xf32, #tpu.memory_space<vmem>> -> memref<1x128x128xf32, #tpu.memory_space<vmem>>
        %dma_wait3A_231 = tpu.memref_squeeze %dma_wait3A_230 : memref<1x128x128xf32, #tpu.memory_space<vmem>> -> memref<128x128xf32, #tpu.memory_space<vmem>>
        tpu.wait_dma2 semaphore(%arg14 : memref<!tpu.dma_semaphore, #tpu.memory_space<semaphore_mem>>) src(%dma_wait3A_231 : memref<128x128xf32, #tpu.memory_space<vmem>>) dst(%dma_wait3A_227 : memref<128x128xf32, #tpu.memory_space<hbm>>)
      } else {
      }
      %lt3A_16 = arith.constant 104 : i32
      %lt3A_17 = arith.cmpi slt, %add3A_12, %lt3A_16 : i32
      %convert_element_type3A_18 = arith.extui %lt3A_17 : i1 to i32
      %cond3A_19 = arith.constant 0 : i32
      %cond3A_20 = arith.cmpi ne, %convert_element_type3A_18, %cond3A_19 : i32
      scf.if %cond3A_20 {
        %dma_start3A = arith.constant 0 : i32
        %dma_start3A_180 = arith.constant 0 : i32
        %dma_start3A_181 = arith.constant 0 : i32
        %dma_start3A_182 = tpu.memref_slice %arg6[%dma_start3A, %dma_start3A_180, %dma_start3A_181] : memref<7x128x128xf32, #tpu.memory_space<vmem>> -> memref<1x128x128xf32, #tpu.memory_space<vmem>>
        %dma_start3A_183 = tpu.memref_squeeze %dma_start3A_182 : memref<1x128x128xf32, #tpu.memory_space<vmem>> -> memref<128x128xf32, #tpu.memory_space<vmem>>
        %dma_start3A_184 = arith.constant 0 : i32
        %dma_start3A_185 = tpu.memref_slice %arg5[%add3A_12, %dma_start3A_184] : memref<104x128xi32, #tpu.memory_space<vmem>> -> memref<1x128xi32, #tpu.memory_space<vmem>>
        %dma_start3A_186 = tpu.memref_squeeze %dma_start3A_185 : memref<1x128xi32, #tpu.memory_space<vmem>> -> memref<128xi32, #tpu.memory_space<vmem>>
        %dma_start3A_187 = arith.constant 0 : i32
        %dma_start3A_188 = arith.constant 0 : i32
        %dma_start3A_189 = tpu.memref_slice %arg2[%dma_start3A_187, %dma_start3A_188] : memref<100000x128xf32, #tpu.memory_space<hbm>> -> memref<100000x128xf32, #tpu.memory_space<hbm>>
        tpu.enqueue_indirect_dma source(%dma_start3A_189 : memref<100000x128xf32, #tpu.memory_space<hbm>>) target(%dma_start3A_183 : memref<128x128xf32, #tpu.memory_space<vmem>>) offsets(%dma_start3A_186 : memref<128xi32, #tpu.memory_space<vmem>>) semaphore(%arg7 : memref<!tpu.dma_semaphore, #tpu.memory_space<semaphore_mem>>)
      } else {
      }
      %sub3A = arith.constant 5 : i32
      %sub3A_21 = arith.subi %add3A_12, %sub3A : i32
      %ge3A_22 = arith.constant 0 : i32
      %ge3A_23 = arith.cmpi sge, %sub3A_21, %ge3A_22 : i32
      %lt3A_24 = arith.constant 104 : i32
      %lt3A_25 = arith.cmpi slt, %sub3A_21, %lt3A_24 : i32
      %and3A_26 = arith.andi %ge3A_23, %lt3A_25 : i1
      %convert_element_type3A_27 = arith.extui %and3A_26 : i1 to i32
      %cond3A_28 = arith.constant 0 : i32
      %cond3A_29 = arith.cmpi ne, %convert_element_type3A_27, %cond3A_28 : i32
      scf.if %cond3A_29 {
        %dma_wait3A = arith.constant 2 : i32
        %dma_wait3A_180 = arith.constant 0 : i32
        %dma_wait3A_181 = arith.constant 0 : i32
        %dma_wait3A_182 = tpu.memref_slice %arg6[%dma_wait3A, %dma_wait3A_180, %dma_wait3A_181] : memref<7x128x128xf32, #tpu.memory_space<vmem>> -> memref<1x128x128xf32, #tpu.memory_space<vmem>>
        %dma_wait3A_183 = tpu.memref_squeeze %dma_wait3A_182 : memref<1x128x128xf32, #tpu.memory_space<vmem>> -> memref<128x128xf32, #tpu.memory_space<vmem>>
        %dma_wait3A_184 = arith.constant 0 : i32
        %dma_wait3A_185 = tpu.memref_slice %arg5[%sub3A_21, %dma_wait3A_184] : memref<104x128xi32, #tpu.memory_space<vmem>> -> memref<1x128xi32, #tpu.memory_space<vmem>>
        %dma_wait3A_186 = tpu.memref_squeeze %dma_wait3A_185 : memref<1x128xi32, #tpu.memory_space<vmem>> -> memref<128xi32, #tpu.memory_space<vmem>>
        %dma_wait3A_187 = arith.constant 0 : i32
        %dma_wait3A_188 = arith.constant 0 : i32
        %dma_wait3A_189 = tpu.memref_slice %arg2[%dma_wait3A_187, %dma_wait3A_188] : memref<100000x128xf32, #tpu.memory_space<hbm>> -> memref<100000x128xf32, #tpu.memory_space<hbm>>
        tpu.wait_indirect_dma semaphore(%arg9 : memref<!tpu.dma_semaphore, #tpu.memory_space<semaphore_mem>>) src(%dma_wait3A_189 : memref<100000x128xf32, #tpu.memory_space<hbm>>) dst(%dma_wait3A_183 : memref<128x128xf32, #tpu.memory_space<vmem>>)
        %jit3A = arith.constant 4 : i32
        %div3A = arith.divsi %sub3A_21, %jit3A : i32
        %sign3A = arith.constant 0 : i32
        %sign3A_190 = arith.cmpi sgt, %sub3A_21, %sign3A : i32
        %sign3A_191 = arith.extui %sign3A_190 : i1 to i32
        %sign3A_192 = arith.constant 0 : i32
        %sign3A_193 = arith.cmpi slt, %sub3A_21, %sign3A_192 : i32
        %sign3A_194 = arith.extui %sign3A_193 : i1 to i32
        %sign3A_195 = arith.subi %sign3A_191, %sign3A_194 : i32
        %sign3A_196 = arith.constant 0 : i32
        %sign3A_197 = arith.cmpi sgt, %jit3A, %sign3A_196 : i32
        %sign3A_198 = arith.extui %sign3A_197 : i1 to i32
        %sign3A_199 = arith.constant 0 : i32
        %sign3A_200 = arith.cmpi slt, %jit3A, %sign3A_199 : i32
        %sign3A_201 = arith.extui %sign3A_200 : i1 to i32
        %sign3A_202 = arith.subi %sign3A_198, %sign3A_201 : i32
        %ne3A = arith.cmpi ne, %sign3A_195, %sign3A_202 : i32
        %rem3A = arith.remsi %sub3A_21, %jit3A : i32
        %ne3A_203 = arith.constant 0 : i32
        %ne3A_204 = arith.cmpi ne, %rem3A, %ne3A_203 : i32
        %and3A_205 = arith.andi %ne3A, %ne3A_204 : i1
        %sub3A_206 = arith.constant 1 : i32
        %sub3A_207 = arith.subi %div3A, %sub3A_206 : i32
        %select_n3A = arith.select %and3A_205, %sub3A_207, %div3A : i32
        %jit3A_208 = arith.constant 4 : i32
        %eq3A = arith.constant 0 : i32
        %eq3A_209 = arith.cmpi eq, %jit3A_208, %eq3A : i32
        %jit3A_210 = arith.constant 1 : i32
        %select_n3A_211 = arith.select %eq3A_209, %jit3A_210, %jit3A_208 : i32
        %rem3A_212 = arith.remsi %sub3A_21, %select_n3A_211 : i32
        %ne3A_213 = arith.constant 0 : i32
        %ne3A_214 = arith.cmpi ne, %rem3A_212, %ne3A_213 : i32
        %lt3A_215 = arith.constant 0 : i32
        %lt3A_216 = arith.cmpi slt, %rem3A_212, %lt3A_215 : i32
        %lt3A_217 = arith.constant 0 : i32
        %lt3A_218 = arith.cmpi slt, %select_n3A_211, %lt3A_217 : i32
        %ne3A_219 = arith.xori %lt3A_216, %lt3A_218 : i1
        %and3A_220 = arith.andi %ne3A_219, %ne3A_214 : i1
        %add3A_221 = arith.addi %rem3A_212, %select_n3A_211 : i32
        %select_n3A_222 = arith.select %and3A_220, %add3A_221, %rem3A_212 : i32
        %mul3A_223 = arith.constant 128 : i32
        %mul3A_224 = arith.muli %select_n3A_222, %mul3A_223 : i32
        %add3A_225 = arith.addi %mul3A_2, %mul3A_224 : i32
        %dma_start3A = arith.constant 2 : i32
        %dma_start3A_226 = arith.constant 0 : i32
        %dma_start3A_227 = arith.constant 0 : i32
        %dma_start3A_228 = tpu.memref_slice %arg6[%dma_start3A, %dma_start3A_226, %dma_start3A_227] : memref<7x128x128xf32, #tpu.memory_space<vmem>> -> memref<1x128x128xf32, #tpu.memory_space<vmem>>
        %dma_start3A_229 = tpu.memref_squeeze %dma_start3A_228 : memref<1x128x128xf32, #tpu.memory_space<vmem>> -> memref<128x128xf32, #tpu.memory_space<vmem>>
        %dma_start3A_230 = arith.constant 0 : i32
        %dma_start3A_231 = tpu.memref_slice %arg4[%select_n3A, %add3A_225, %dma_start3A_230] : memref<26x16384x128xf32, #tpu.memory_space<hbm>> -> memref<1x128x128xf32, #tpu.memory_space<hbm>>
        %dma_start3A_232 = tpu.memref_squeeze %dma_start3A_231 : memref<1x128x128xf32, #tpu.memory_space<hbm>> -> memref<128x128xf32, #tpu.memory_space<hbm>>
        %dma_start3A_233 = arith.constant 0 : i32
        %dma_start3A_234 = tpu.memref_slice %arg4[%select_n3A, %add3A_225, %dma_start3A_233] : memref<26x16384x128xf32, #tpu.memory_space<hbm>> -> memref<1x128x128xf32, #tpu.memory_space<hbm>>
        %dma_start3A_235 = tpu.memref_squeeze %dma_start3A_234 : memref<1x128x128xf32, #tpu.memory_space<hbm>> -> memref<128x128xf32, #tpu.memory_space<hbm>>
        %dma_start3A_236 = arith.constant 0 : i32
        %dma_start3A_237 = arith.constant 0 : i32
        %dma_start3A_238 = tpu.memref_slice %arg6[%dma_start3A, %dma_start3A_236, %dma_start3A_237] : memref<7x128x128xf32, #tpu.memory_space<vmem>> -> memref<1x128x128xf32, #tpu.memory_space<vmem>>
        %dma_start3A_239 = tpu.memref_squeeze %dma_start3A_238 : memref<1x128x128xf32, #tpu.memory_space<vmem>> -> memref<128x128xf32, #tpu.memory_space<vmem>>
        tpu.enqueue_dma source(%dma_start3A_239 : memref<128x128xf32, #tpu.memory_space<vmem>>) target(%dma_start3A_235 : memref<128x128xf32, #tpu.memory_space<hbm>>) target_semaphore(%arg16 : memref<!tpu.dma_semaphore, #tpu.memory_space<semaphore_mem>>)
      } else {
      }
      %add3A_30 = arith.constant 1 : i32
      %add3A_31 = arith.addi %mul3A_10, %add3A_30 : i32
      %ge3A_32 = arith.constant 7 : i32
      %ge3A_33 = arith.cmpi sge, %add3A_31, %ge3A_32 : i32
      %lt3A_34 = arith.constant 111 : i32
      %lt3A_35 = arith.cmpi slt, %add3A_31, %lt3A_34 : i32
      %and3A_36 = arith.andi %ge3A_33, %lt3A_35 : i1
      %convert_element_type3A_37 = arith.extui %and3A_36 : i1 to i32
      %cond3A_38 = arith.constant 0 : i32
      %cond3A_39 = arith.cmpi ne, %convert_element_type3A_37, %cond3A_38 : i32
      scf.if %cond3A_39 {
        %sub3A_180 = arith.constant 7 : i32
        %sub3A_181 = arith.subi %add3A_31, %sub3A_180 : i32
        %jit3A = arith.constant 4 : i32
        %div3A = arith.divsi %sub3A_181, %jit3A : i32
        %sign3A = arith.constant 0 : i32
        %sign3A_182 = arith.cmpi sgt, %sub3A_181, %sign3A : i32
        %sign3A_183 = arith.extui %sign3A_182 : i1 to i32
        %sign3A_184 = arith.constant 0 : i32
        %sign3A_185 = arith.cmpi slt, %sub3A_181, %sign3A_184 : i32
        %sign3A_186 = arith.extui %sign3A_185 : i1 to i32
        %sign3A_187 = arith.subi %sign3A_183, %sign3A_186 : i32
        %sign3A_188 = arith.constant 0 : i32
        %sign3A_189 = arith.cmpi sgt, %jit3A, %sign3A_188 : i32
        %sign3A_190 = arith.extui %sign3A_189 : i1 to i32
        %sign3A_191 = arith.constant 0 : i32
        %sign3A_192 = arith.cmpi slt, %jit3A, %sign3A_191 : i32
        %sign3A_193 = arith.extui %sign3A_192 : i1 to i32
        %sign3A_194 = arith.subi %sign3A_190, %sign3A_193 : i32
        %ne3A = arith.cmpi ne, %sign3A_187, %sign3A_194 : i32
        %rem3A = arith.remsi %sub3A_181, %jit3A : i32
        %ne3A_195 = arith.constant 0 : i32
        %ne3A_196 = arith.cmpi ne, %rem3A, %ne3A_195 : i32
        %and3A_197 = arith.andi %ne3A, %ne3A_196 : i1
        %sub3A_198 = arith.constant 1 : i32
        %sub3A_199 = arith.subi %div3A, %sub3A_198 : i32
        %select_n3A = arith.select %and3A_197, %sub3A_199, %div3A : i32
        %jit3A_200 = arith.constant 4 : i32
        %eq3A = arith.constant 0 : i32
        %eq3A_201 = arith.cmpi eq, %jit3A_200, %eq3A : i32
        %jit3A_202 = arith.constant 1 : i32
        %select_n3A_203 = arith.select %eq3A_201, %jit3A_202, %jit3A_200 : i32
        %rem3A_204 = arith.remsi %sub3A_181, %select_n3A_203 : i32
        %ne3A_205 = arith.constant 0 : i32
        %ne3A_206 = arith.cmpi ne, %rem3A_204, %ne3A_205 : i32
        %lt3A_207 = arith.constant 0 : i32
        %lt3A_208 = arith.cmpi slt, %rem3A_204, %lt3A_207 : i32
        %lt3A_209 = arith.constant 0 : i32
        %lt3A_210 = arith.cmpi slt, %select_n3A_203, %lt3A_209 : i32
        %ne3A_211 = arith.xori %lt3A_208, %lt3A_210 : i1
        %and3A_212 = arith.andi %ne3A_211, %ne3A_206 : i1
        %add3A_213 = arith.addi %rem3A_204, %select_n3A_203 : i32
        %select_n3A_214 = arith.select %and3A_212, %add3A_213, %rem3A_204 : i32
        %mul3A_215 = arith.constant 128 : i32
        %mul3A_216 = arith.muli %select_n3A_214, %mul3A_215 : i32
        %add3A_217 = arith.addi %mul3A_2, %mul3A_216 : i32
        %dma_wait3A = arith.constant 1 : i32
        %dma_wait3A_218 = arith.constant 0 : i32
        %dma_wait3A_219 = arith.constant 0 : i32
        %dma_wait3A_220 = tpu.memref_slice %arg6[%dma_wait3A, %dma_wait3A_218, %dma_wait3A_219] : memref<7x128x128xf32, #tpu.memory_space<vmem>> -> memref<1x128x128xf32, #tpu.memory_space<vmem>>
        %dma_wait3A_221 = tpu.memref_squeeze %dma_wait3A_220 : memref<1x128x128xf32, #tpu.memory_space<vmem>> -> memref<128x128xf32, #tpu.memory_space<vmem>>
        %dma_wait3A_222 = arith.constant 0 : i32
        %dma_wait3A_223 = tpu.memref_slice %arg4[%select_n3A, %add3A_217, %dma_wait3A_222] : memref<26x16384x128xf32, #tpu.memory_space<hbm>> -> memref<1x128x128xf32, #tpu.memory_space<hbm>>
        %dma_wait3A_224 = tpu.memref_squeeze %dma_wait3A_223 : memref<1x128x128xf32, #tpu.memory_space<hbm>> -> memref<128x128xf32, #tpu.memory_space<hbm>>
        %dma_wait3A_225 = arith.constant 0 : i32
        %dma_wait3A_226 = tpu.memref_slice %arg4[%select_n3A, %add3A_217, %dma_wait3A_225] : memref<26x16384x128xf32, #tpu.memory_space<hbm>> -> memref<1x128x128xf32, #tpu.memory_space<hbm>>
        %dma_wait3A_227 = tpu.memref_squeeze %dma_wait3A_226 : memref<1x128x128xf32, #tpu.memory_space<hbm>> -> memref<128x128xf32, #tpu.memory_space<hbm>>
        %dma_wait3A_228 = arith.constant 0 : i32
        %dma_wait3A_229 = arith.constant 0 : i32
        %dma_wait3A_230 = tpu.memref_slice %arg6[%dma_wait3A, %dma_wait3A_228, %dma_wait3A_229] : memref<7x128x128xf32, #tpu.memory_space<vmem>> -> memref<1x128x128xf32, #tpu.memory_space<vmem>>
        %dma_wait3A_231 = tpu.memref_squeeze %dma_wait3A_230 : memref<1x128x128xf32, #tpu.memory_space<vmem>> -> memref<128x128xf32, #tpu.memory_space<vmem>>
        tpu.wait_dma2 semaphore(%arg15 : memref<!tpu.dma_semaphore, #tpu.memory_space<semaphore_mem>>) src(%dma_wait3A_231 : memref<128x128xf32, #tpu.memory_space<vmem>>) dst(%dma_wait3A_227 : memref<128x128xf32, #tpu.memory_space<hbm>>)
      } else {
      }
      %lt3A_40 = arith.constant 104 : i32
      %lt3A_41 = arith.cmpi slt, %add3A_31, %lt3A_40 : i32
      %convert_element_type3A_42 = arith.extui %lt3A_41 : i1 to i32
      %cond3A_43 = arith.constant 0 : i32
      %cond3A_44 = arith.cmpi ne, %convert_element_type3A_42, %cond3A_43 : i32
      scf.if %cond3A_44 {
        %dma_start3A = arith.constant 1 : i32
        %dma_start3A_180 = arith.constant 0 : i32
        %dma_start3A_181 = arith.constant 0 : i32
        %dma_start3A_182 = tpu.memref_slice %arg6[%dma_start3A, %dma_start3A_180, %dma_start3A_181] : memref<7x128x128xf32, #tpu.memory_space<vmem>> -> memref<1x128x128xf32, #tpu.memory_space<vmem>>
        %dma_start3A_183 = tpu.memref_squeeze %dma_start3A_182 : memref<1x128x128xf32, #tpu.memory_space<vmem>> -> memref<128x128xf32, #tpu.memory_space<vmem>>
        %dma_start3A_184 = arith.constant 0 : i32
        %dma_start3A_185 = tpu.memref_slice %arg5[%add3A_31, %dma_start3A_184] : memref<104x128xi32, #tpu.memory_space<vmem>> -> memref<1x128xi32, #tpu.memory_space<vmem>>
        %dma_start3A_186 = tpu.memref_squeeze %dma_start3A_185 : memref<1x128xi32, #tpu.memory_space<vmem>> -> memref<128xi32, #tpu.memory_space<vmem>>
        %dma_start3A_187 = arith.constant 0 : i32
        %dma_start3A_188 = arith.constant 0 : i32
        %dma_start3A_189 = tpu.memref_slice %arg2[%dma_start3A_187, %dma_start3A_188] : memref<100000x128xf32, #tpu.memory_space<hbm>> -> memref<100000x128xf32, #tpu.memory_space<hbm>>
        tpu.enqueue_indirect_dma source(%dma_start3A_189 : memref<100000x128xf32, #tpu.memory_space<hbm>>) target(%dma_start3A_183 : memref<128x128xf32, #tpu.memory_space<vmem>>) offsets(%dma_start3A_186 : memref<128xi32, #tpu.memory_space<vmem>>) semaphore(%arg8 : memref<!tpu.dma_semaphore, #tpu.memory_space<semaphore_mem>>)
      } else {
      }
      %sub3A_45 = arith.constant 5 : i32
      %sub3A_46 = arith.subi %add3A_31, %sub3A_45 : i32
      %ge3A_47 = arith.constant 0 : i32
      %ge3A_48 = arith.cmpi sge, %sub3A_46, %ge3A_47 : i32
      %lt3A_49 = arith.constant 104 : i32
      %lt3A_50 = arith.cmpi slt, %sub3A_46, %lt3A_49 : i32
      %and3A_51 = arith.andi %ge3A_48, %lt3A_50 : i1
      %convert_element_type3A_52 = arith.extui %and3A_51 : i1 to i32
      %cond3A_53 = arith.constant 0 : i32
      %cond3A_54 = arith.cmpi ne, %convert_element_type3A_52, %cond3A_53 : i32
      scf.if %cond3A_54 {
        %dma_wait3A = arith.constant 3 : i32
        %dma_wait3A_180 = arith.constant 0 : i32
        %dma_wait3A_181 = arith.constant 0 : i32
        %dma_wait3A_182 = tpu.memref_slice %arg6[%dma_wait3A, %dma_wait3A_180, %dma_wait3A_181] : memref<7x128x128xf32, #tpu.memory_space<vmem>> -> memref<1x128x128xf32, #tpu.memory_space<vmem>>
        %dma_wait3A_183 = tpu.memref_squeeze %dma_wait3A_182 : memref<1x128x128xf32, #tpu.memory_space<vmem>> -> memref<128x128xf32, #tpu.memory_space<vmem>>
        %dma_wait3A_184 = arith.constant 0 : i32
        %dma_wait3A_185 = tpu.memref_slice %arg5[%sub3A_46, %dma_wait3A_184] : memref<104x128xi32, #tpu.memory_space<vmem>> -> memref<1x128xi32, #tpu.memory_space<vmem>>
        %dma_wait3A_186 = tpu.memref_squeeze %dma_wait3A_185 : memref<1x128xi32, #tpu.memory_space<vmem>> -> memref<128xi32, #tpu.memory_space<vmem>>
        %dma_wait3A_187 = arith.constant 0 : i32
        %dma_wait3A_188 = arith.constant 0 : i32
        %dma_wait3A_189 = tpu.memref_slice %arg2[%dma_wait3A_187, %dma_wait3A_188] : memref<100000x128xf32, #tpu.memory_space<hbm>> -> memref<100000x128xf32, #tpu.memory_space<hbm>>
        tpu.wait_indirect_dma semaphore(%arg10 : memref<!tpu.dma_semaphore, #tpu.memory_space<semaphore_mem>>) src(%dma_wait3A_189 : memref<100000x128xf32, #tpu.memory_space<hbm>>) dst(%dma_wait3A_183 : memref<128x128xf32, #tpu.memory_space<vmem>>)
        %jit3A = arith.constant 4 : i32
        %div3A = arith.divsi %sub3A_46, %jit3A : i32
        %sign3A = arith.constant 0 : i32
        %sign3A_190 = arith.cmpi sgt, %sub3A_46, %sign3A : i32
        %sign3A_191 = arith.extui %sign3A_190 : i1 to i32
        %sign3A_192 = arith.constant 0 : i32
        %sign3A_193 = arith.cmpi slt, %sub3A_46, %sign3A_192 : i32
        %sign3A_194 = arith.extui %sign3A_193 : i1 to i32
        %sign3A_195 = arith.subi %sign3A_191, %sign3A_194 : i32
        %sign3A_196 = arith.constant 0 : i32
        %sign3A_197 = arith.cmpi sgt, %jit3A, %sign3A_196 : i32
        %sign3A_198 = arith.extui %sign3A_197 : i1 to i32
        %sign3A_199 = arith.constant 0 : i32
        %sign3A_200 = arith.cmpi slt, %jit3A, %sign3A_199 : i32
        %sign3A_201 = arith.extui %sign3A_200 : i1 to i32
        %sign3A_202 = arith.subi %sign3A_198, %sign3A_201 : i32
        %ne3A = arith.cmpi ne, %sign3A_195, %sign3A_202 : i32
        %rem3A = arith.remsi %sub3A_46, %jit3A : i32
        %ne3A_203 = arith.constant 0 : i32
        %ne3A_204 = arith.cmpi ne, %rem3A, %ne3A_203 : i32
        %and3A_205 = arith.andi %ne3A, %ne3A_204 : i1
        %sub3A_206 = arith.constant 1 : i32
        %sub3A_207 = arith.subi %div3A, %sub3A_206 : i32
        %select_n3A = arith.select %and3A_205, %sub3A_207, %div3A : i32
        %jit3A_208 = arith.constant 4 : i32
        %eq3A = arith.constant 0 : i32
        %eq3A_209 = arith.cmpi eq, %jit3A_208, %eq3A : i32
        %jit3A_210 = arith.constant 1 : i32
        %select_n3A_211 = arith.select %eq3A_209, %jit3A_210, %jit3A_208 : i32
        %rem3A_212 = arith.remsi %sub3A_46, %select_n3A_211 : i32
        %ne3A_213 = arith.constant 0 : i32
        %ne3A_214 = arith.cmpi ne, %rem3A_212, %ne3A_213 : i32
        %lt3A_215 = arith.constant 0 : i32
        %lt3A_216 = arith.cmpi slt, %rem3A_212, %lt3A_215 : i32
        %lt3A_217 = arith.constant 0 : i32
        %lt3A_218 = arith.cmpi slt, %select_n3A_211, %lt3A_217 : i32
        %ne3A_219 = arith.xori %lt3A_216, %lt3A_218 : i1
        %and3A_220 = arith.andi %ne3A_219, %ne3A_214 : i1
        %add3A_221 = arith.addi %rem3A_212, %select_n3A_211 : i32
        %select_n3A_222 = arith.select %and3A_220, %add3A_221, %rem3A_212 : i32
        %mul3A_223 = arith.constant 128 : i32
        %mul3A_224 = arith.muli %select_n3A_222, %mul3A_223 : i32
        %add3A_225 = arith.addi %mul3A_2, %mul3A_224 : i32
        %dma_start3A = arith.constant 3 : i32
        %dma_start3A_226 = arith.constant 0 : i32
        %dma_start3A_227 = arith.constant 0 : i32
        %dma_start3A_228 = tpu.memref_slice %arg6[%dma_start3A, %dma_start3A_226, %dma_start3A_227] : memref<7x128x128xf32, #tpu.memory_space<vmem>> -> memref<1x128x128xf32, #tpu.memory_space<vmem>>
        %dma_start3A_229 = tpu.memref_squeeze %dma_start3A_228 : memref<1x128x128xf32, #tpu.memory_space<vmem>> -> memref<128x128xf32, #tpu.memory_space<vmem>>
        %dma_start3A_230 = arith.constant 0 : i32
        %dma_start3A_231 = tpu.memref_slice %arg4[%select_n3A, %add3A_225, %dma_start3A_230] : memref<26x16384x128xf32, #tpu.memory_space<hbm>> -> memref<1x128x128xf32, #tpu.memory_space<hbm>>
        %dma_start3A_232 = tpu.memref_squeeze %dma_start3A_231 : memref<1x128x128xf32, #tpu.memory_space<hbm>> -> memref<128x128xf32, #tpu.memory_space<hbm>>
        %dma_start3A_233 = arith.constant 0 : i32
        %dma_start3A_234 = tpu.memref_slice %arg4[%select_n3A, %add3A_225, %dma_start3A_233] : memref<26x16384x128xf32, #tpu.memory_space<hbm>> -> memref<1x128x128xf32, #tpu.memory_space<hbm>>
        %dma_start3A_235 = tpu.memref_squeeze %dma_start3A_234 : memref<1x128x128xf32, #tpu.memory_space<hbm>> -> memref<128x128xf32, #tpu.memory_space<hbm>>
        %dma_start3A_236 = arith.constant 0 : i32
        %dma_start3A_237 = arith.constant 0 : i32
        %dma_start3A_238 = tpu.memref_slice %arg6[%dma_start3A, %dma_start3A_236, %dma_start3A_237] : memref<7x128x128xf32, #tpu.memory_space<vmem>> -> memref<1x128x128xf32, #tpu.memory_space<vmem>>
        %dma_start3A_239 = tpu.memref_squeeze %dma_start3A_238 : memref<1x128x128xf32, #tpu.memory_space<vmem>> -> memref<128x128xf32, #tpu.memory_space<vmem>>
        tpu.enqueue_dma source(%dma_start3A_239 : memref<128x128xf32, #tpu.memory_space<vmem>>) target(%dma_start3A_235 : memref<128x128xf32, #tpu.memory_space<hbm>>) target_semaphore(%arg17 : memref<!tpu.dma_semaphore, #tpu.memory_space<semaphore_mem>>)
      } else {
      }
      %add3A_55 = arith.constant 2 : i32
      %add3A_56 = arith.addi %mul3A_10, %add3A_55 : i32
      %ge3A_57 = arith.constant 7 : i32
      %ge3A_58 = arith.cmpi sge, %add3A_56, %ge3A_57 : i32
      %lt3A_59 = arith.constant 111 : i32
      %lt3A_60 = arith.cmpi slt, %add3A_56, %lt3A_59 : i32
      %and3A_61 = arith.andi %ge3A_58, %lt3A_60 : i1
      %convert_element_type3A_62 = arith.extui %and3A_61 : i1 to i32
      %cond3A_63 = arith.constant 0 : i32
      %cond3A_64 = arith.cmpi ne, %convert_element_type3A_62, %cond3A_63 : i32
      scf.if %cond3A_64 {
        %sub3A_180 = arith.constant 7 : i32
        %sub3A_181 = arith.subi %add3A_56, %sub3A_180 : i32
        %jit3A = arith.constant 4 : i32
        %div3A = arith.divsi %sub3A_181, %jit3A : i32
        %sign3A = arith.constant 0 : i32
        %sign3A_182 = arith.cmpi sgt, %sub3A_181, %sign3A : i32
        %sign3A_183 = arith.extui %sign3A_182 : i1 to i32
        %sign3A_184 = arith.constant 0 : i32
        %sign3A_185 = arith.cmpi slt, %sub3A_181, %sign3A_184 : i32
        %sign3A_186 = arith.extui %sign3A_185 : i1 to i32
        %sign3A_187 = arith.subi %sign3A_183, %sign3A_186 : i32
        %sign3A_188 = arith.constant 0 : i32
        %sign3A_189 = arith.cmpi sgt, %jit3A, %sign3A_188 : i32
        %sign3A_190 = arith.extui %sign3A_189 : i1 to i32
        %sign3A_191 = arith.constant 0 : i32
        %sign3A_192 = arith.cmpi slt, %jit3A, %sign3A_191 : i32
        %sign3A_193 = arith.extui %sign3A_192 : i1 to i32
        %sign3A_194 = arith.subi %sign3A_190, %sign3A_193 : i32
        %ne3A = arith.cmpi ne, %sign3A_187, %sign3A_194 : i32
        %rem3A = arith.remsi %sub3A_181, %jit3A : i32
        %ne3A_195 = arith.constant 0 : i32
        %ne3A_196 = arith.cmpi ne, %rem3A, %ne3A_195 : i32
        %and3A_197 = arith.andi %ne3A, %ne3A_196 : i1
        %sub3A_198 = arith.constant 1 : i32
        %sub3A_199 = arith.subi %div3A, %sub3A_198 : i32
        %select_n3A = arith.select %and3A_197, %sub3A_199, %div3A : i32
        %jit3A_200 = arith.constant 4 : i32
        %eq3A = arith.constant 0 : i32
        %eq3A_201 = arith.cmpi eq, %jit3A_200, %eq3A : i32
        %jit3A_202 = arith.constant 1 : i32
        %select_n3A_203 = arith.select %eq3A_201, %jit3A_202, %jit3A_200 : i32
        %rem3A_204 = arith.remsi %sub3A_181, %select_n3A_203 : i32
        %ne3A_205 = arith.constant 0 : i32
        %ne3A_206 = arith.cmpi ne, %rem3A_204, %ne3A_205 : i32
        %lt3A_207 = arith.constant 0 : i32
        %lt3A_208 = arith.cmpi slt, %rem3A_204, %lt3A_207 : i32
        %lt3A_209 = arith.constant 0 : i32
        %lt3A_210 = arith.cmpi slt, %select_n3A_203, %lt3A_209 : i32
        %ne3A_211 = arith.xori %lt3A_208, %lt3A_210 : i1
        %and3A_212 = arith.andi %ne3A_211, %ne3A_206 : i1
        %add3A_213 = arith.addi %rem3A_204, %select_n3A_203 : i32
        %select_n3A_214 = arith.select %and3A_212, %add3A_213, %rem3A_204 : i32
        %mul3A_215 = arith.constant 128 : i32
        %mul3A_216 = arith.muli %select_n3A_214, %mul3A_215 : i32
        %add3A_217 = arith.addi %mul3A_2, %mul3A_216 : i32
        %dma_wait3A = arith.constant 2 : i32
        %dma_wait3A_218 = arith.constant 0 : i32
        %dma_wait3A_219 = arith.constant 0 : i32
        %dma_wait3A_220 = tpu.memref_slice %arg6[%dma_wait3A, %dma_wait3A_218, %dma_wait3A_219] : memref<7x128x128xf32, #tpu.memory_space<vmem>> -> memref<1x128x128xf32, #tpu.memory_space<vmem>>
        %dma_wait3A_221 = tpu.memref_squeeze %dma_wait3A_220 : memref<1x128x128xf32, #tpu.memory_space<vmem>> -> memref<128x128xf32, #tpu.memory_space<vmem>>
        %dma_wait3A_222 = arith.constant 0 : i32
        %dma_wait3A_223 = tpu.memref_slice %arg4[%select_n3A, %add3A_217, %dma_wait3A_222] : memref<26x16384x128xf32, #tpu.memory_space<hbm>> -> memref<1x128x128xf32, #tpu.memory_space<hbm>>
        %dma_wait3A_224 = tpu.memref_squeeze %dma_wait3A_223 : memref<1x128x128xf32, #tpu.memory_space<hbm>> -> memref<128x128xf32, #tpu.memory_space<hbm>>
        %dma_wait3A_225 = arith.constant 0 : i32
        %dma_wait3A_226 = tpu.memref_slice %arg4[%select_n3A, %add3A_217, %dma_wait3A_225] : memref<26x16384x128xf32, #tpu.memory_space<hbm>> -> memref<1x128x128xf32, #tpu.memory_space<hbm>>
        %dma_wait3A_227 = tpu.memref_squeeze %dma_wait3A_226 : memref<1x128x128xf32, #tpu.memory_space<hbm>> -> memref<128x128xf32, #tpu.memory_space<hbm>>
        %dma_wait3A_228 = arith.constant 0 : i32
        %dma_wait3A_229 = arith.constant 0 : i32
        %dma_wait3A_230 = tpu.memref_slice %arg6[%dma_wait3A, %dma_wait3A_228, %dma_wait3A_229] : memref<7x128x128xf32, #tpu.memory_space<vmem>> -> memref<1x128x128xf32, #tpu.memory_space<vmem>>
        %dma_wait3A_231 = tpu.memref_squeeze %dma_wait3A_230 : memref<1x128x128xf32, #tpu.memory_space<vmem>> -> memref<128x128xf32, #tpu.memory_space<vmem>>
        tpu.wait_dma2 semaphore(%arg16 : memref<!tpu.dma_semaphore, #tpu.memory_space<semaphore_mem>>) src(%dma_wait3A_231 : memref<128x128xf32, #tpu.memory_space<vmem>>) dst(%dma_wait3A_227 : memref<128x128xf32, #tpu.memory_space<hbm>>)
      } else {
      }
      %lt3A_65 = arith.constant 104 : i32
      %lt3A_66 = arith.cmpi slt, %add3A_56, %lt3A_65 : i32
      %convert_element_type3A_67 = arith.extui %lt3A_66 : i1 to i32
      %cond3A_68 = arith.constant 0 : i32
      %cond3A_69 = arith.cmpi ne, %convert_element_type3A_67, %cond3A_68 : i32
      scf.if %cond3A_69 {
        %dma_start3A = arith.constant 2 : i32
        %dma_start3A_180 = arith.constant 0 : i32
        %dma_start3A_181 = arith.constant 0 : i32
        %dma_start3A_182 = tpu.memref_slice %arg6[%dma_start3A, %dma_start3A_180, %dma_start3A_181] : memref<7x128x128xf32, #tpu.memory_space<vmem>> -> memref<1x128x128xf32, #tpu.memory_space<vmem>>
        %dma_start3A_183 = tpu.memref_squeeze %dma_start3A_182 : memref<1x128x128xf32, #tpu.memory_space<vmem>> -> memref<128x128xf32, #tpu.memory_space<vmem>>
        %dma_start3A_184 = arith.constant 0 : i32
        %dma_start3A_185 = tpu.memref_slice %arg5[%add3A_56, %dma_start3A_184] : memref<104x128xi32, #tpu.memory_space<vmem>> -> memref<1x128xi32, #tpu.memory_space<vmem>>
        %dma_start3A_186 = tpu.memref_squeeze %dma_start3A_185 : memref<1x128xi32, #tpu.memory_space<vmem>> -> memref<128xi32, #tpu.memory_space<vmem>>
        %dma_start3A_187 = arith.constant 0 : i32
        %dma_start3A_188 = arith.constant 0 : i32
        %dma_start3A_189 = tpu.memref_slice %arg2[%dma_start3A_187, %dma_start3A_188] : memref<100000x128xf32, #tpu.memory_space<hbm>> -> memref<100000x128xf32, #tpu.memory_space<hbm>>
        tpu.enqueue_indirect_dma source(%dma_start3A_189 : memref<100000x128xf32, #tpu.memory_space<hbm>>) target(%dma_start3A_183 : memref<128x128xf32, #tpu.memory_space<vmem>>) offsets(%dma_start3A_186 : memref<128xi32, #tpu.memory_space<vmem>>) semaphore(%arg9 : memref<!tpu.dma_semaphore, #tpu.memory_space<semaphore_mem>>)
      } else {
      }
      %sub3A_70 = arith.constant 5 : i32
      %sub3A_71 = arith.subi %add3A_56, %sub3A_70 : i32
      %ge3A_72 = arith.constant 0 : i32
      %ge3A_73 = arith.cmpi sge, %sub3A_71, %ge3A_72 : i32
      %lt3A_74 = arith.constant 104 : i32
      %lt3A_75 = arith.cmpi slt, %sub3A_71, %lt3A_74 : i32
      %and3A_76 = arith.andi %ge3A_73, %lt3A_75 : i1
      %convert_element_type3A_77 = arith.extui %and3A_76 : i1 to i32
      %cond3A_78 = arith.constant 0 : i32
      %cond3A_79 = arith.cmpi ne, %convert_element_type3A_77, %cond3A_78 : i32
      scf.if %cond3A_79 {
        %dma_wait3A = arith.constant 4 : i32
        %dma_wait3A_180 = arith.constant 0 : i32
        %dma_wait3A_181 = arith.constant 0 : i32
        %dma_wait3A_182 = tpu.memref_slice %arg6[%dma_wait3A, %dma_wait3A_180, %dma_wait3A_181] : memref<7x128x128xf32, #tpu.memory_space<vmem>> -> memref<1x128x128xf32, #tpu.memory_space<vmem>>
        %dma_wait3A_183 = tpu.memref_squeeze %dma_wait3A_182 : memref<1x128x128xf32, #tpu.memory_space<vmem>> -> memref<128x128xf32, #tpu.memory_space<vmem>>
        %dma_wait3A_184 = arith.constant 0 : i32
        %dma_wait3A_185 = tpu.memref_slice %arg5[%sub3A_71, %dma_wait3A_184] : memref<104x128xi32, #tpu.memory_space<vmem>> -> memref<1x128xi32, #tpu.memory_space<vmem>>
        %dma_wait3A_186 = tpu.memref_squeeze %dma_wait3A_185 : memref<1x128xi32, #tpu.memory_space<vmem>> -> memref<128xi32, #tpu.memory_space<vmem>>
        %dma_wait3A_187 = arith.constant 0 : i32
        %dma_wait3A_188 = arith.constant 0 : i32
        %dma_wait3A_189 = tpu.memref_slice %arg2[%dma_wait3A_187, %dma_wait3A_188] : memref<100000x128xf32, #tpu.memory_space<hbm>> -> memref<100000x128xf32, #tpu.memory_space<hbm>>
        tpu.wait_indirect_dma semaphore(%arg11 : memref<!tpu.dma_semaphore, #tpu.memory_space<semaphore_mem>>) src(%dma_wait3A_189 : memref<100000x128xf32, #tpu.memory_space<hbm>>) dst(%dma_wait3A_183 : memref<128x128xf32, #tpu.memory_space<vmem>>)
        %jit3A = arith.constant 4 : i32
        %div3A = arith.divsi %sub3A_71, %jit3A : i32
        %sign3A = arith.constant 0 : i32
        %sign3A_190 = arith.cmpi sgt, %sub3A_71, %sign3A : i32
        %sign3A_191 = arith.extui %sign3A_190 : i1 to i32
        %sign3A_192 = arith.constant 0 : i32
        %sign3A_193 = arith.cmpi slt, %sub3A_71, %sign3A_192 : i32
        %sign3A_194 = arith.extui %sign3A_193 : i1 to i32
        %sign3A_195 = arith.subi %sign3A_191, %sign3A_194 : i32
        %sign3A_196 = arith.constant 0 : i32
        %sign3A_197 = arith.cmpi sgt, %jit3A, %sign3A_196 : i32
        %sign3A_198 = arith.extui %sign3A_197 : i1 to i32
        %sign3A_199 = arith.constant 0 : i32
        %sign3A_200 = arith.cmpi slt, %jit3A, %sign3A_199 : i32
        %sign3A_201 = arith.extui %sign3A_200 : i1 to i32
        %sign3A_202 = arith.subi %sign3A_198, %sign3A_201 : i32
        %ne3A = arith.cmpi ne, %sign3A_195, %sign3A_202 : i32
        %rem3A = arith.remsi %sub3A_71, %jit3A : i32
        %ne3A_203 = arith.constant 0 : i32
        %ne3A_204 = arith.cmpi ne, %rem3A, %ne3A_203 : i32
        %and3A_205 = arith.andi %ne3A, %ne3A_204 : i1
        %sub3A_206 = arith.constant 1 : i32
        %sub3A_207 = arith.subi %div3A, %sub3A_206 : i32
        %select_n3A = arith.select %and3A_205, %sub3A_207, %div3A : i32
        %jit3A_208 = arith.constant 4 : i32
        %eq3A = arith.constant 0 : i32
        %eq3A_209 = arith.cmpi eq, %jit3A_208, %eq3A : i32
        %jit3A_210 = arith.constant 1 : i32
        %select_n3A_211 = arith.select %eq3A_209, %jit3A_210, %jit3A_208 : i32
        %rem3A_212 = arith.remsi %sub3A_71, %select_n3A_211 : i32
        %ne3A_213 = arith.constant 0 : i32
        %ne3A_214 = arith.cmpi ne, %rem3A_212, %ne3A_213 : i32
        %lt3A_215 = arith.constant 0 : i32
        %lt3A_216 = arith.cmpi slt, %rem3A_212, %lt3A_215 : i32
        %lt3A_217 = arith.constant 0 : i32
        %lt3A_218 = arith.cmpi slt, %select_n3A_211, %lt3A_217 : i32
        %ne3A_219 = arith.xori %lt3A_216, %lt3A_218 : i1
        %and3A_220 = arith.andi %ne3A_219, %ne3A_214 : i1
        %add3A_221 = arith.addi %rem3A_212, %select_n3A_211 : i32
        %select_n3A_222 = arith.select %and3A_220, %add3A_221, %rem3A_212 : i32
        %mul3A_223 = arith.constant 128 : i32
        %mul3A_224 = arith.muli %select_n3A_222, %mul3A_223 : i32
        %add3A_225 = arith.addi %mul3A_2, %mul3A_224 : i32
        %dma_start3A = arith.constant 4 : i32
        %dma_start3A_226 = arith.constant 0 : i32
        %dma_start3A_227 = arith.constant 0 : i32
        %dma_start3A_228 = tpu.memref_slice %arg6[%dma_start3A, %dma_start3A_226, %dma_start3A_227] : memref<7x128x128xf32, #tpu.memory_space<vmem>> -> memref<1x128x128xf32, #tpu.memory_space<vmem>>
        %dma_start3A_229 = tpu.memref_squeeze %dma_start3A_228 : memref<1x128x128xf32, #tpu.memory_space<vmem>> -> memref<128x128xf32, #tpu.memory_space<vmem>>
        %dma_start3A_230 = arith.constant 0 : i32
        %dma_start3A_231 = tpu.memref_slice %arg4[%select_n3A, %add3A_225, %dma_start3A_230] : memref<26x16384x128xf32, #tpu.memory_space<hbm>> -> memref<1x128x128xf32, #tpu.memory_space<hbm>>
        %dma_start3A_232 = tpu.memref_squeeze %dma_start3A_231 : memref<1x128x128xf32, #tpu.memory_space<hbm>> -> memref<128x128xf32, #tpu.memory_space<hbm>>
        %dma_start3A_233 = arith.constant 0 : i32
        %dma_start3A_234 = tpu.memref_slice %arg4[%select_n3A, %add3A_225, %dma_start3A_233] : memref<26x16384x128xf32, #tpu.memory_space<hbm>> -> memref<1x128x128xf32, #tpu.memory_space<hbm>>
        %dma_start3A_235 = tpu.memref_squeeze %dma_start3A_234 : memref<1x128x128xf32, #tpu.memory_space<hbm>> -> memref<128x128xf32, #tpu.memory_space<hbm>>
        %dma_start3A_236 = arith.constant 0 : i32
        %dma_start3A_237 = arith.constant 0 : i32
        %dma_start3A_238 = tpu.memref_slice %arg6[%dma_start3A, %dma_start3A_236, %dma_start3A_237] : memref<7x128x128xf32, #tpu.memory_space<vmem>> -> memref<1x128x128xf32, #tpu.memory_space<vmem>>
        %dma_start3A_239 = tpu.memref_squeeze %dma_start3A_238 : memref<1x128x128xf32, #tpu.memory_space<vmem>> -> memref<128x128xf32, #tpu.memory_space<vmem>>
        tpu.enqueue_dma source(%dma_start3A_239 : memref<128x128xf32, #tpu.memory_space<vmem>>) target(%dma_start3A_235 : memref<128x128xf32, #tpu.memory_space<hbm>>) target_semaphore(%arg18 : memref<!tpu.dma_semaphore, #tpu.memory_space<semaphore_mem>>)
      } else {
      }
      %add3A_80 = arith.constant 3 : i32
      %add3A_81 = arith.addi %mul3A_10, %add3A_80 : i32
      %ge3A_82 = arith.constant 7 : i32
      %ge3A_83 = arith.cmpi sge, %add3A_81, %ge3A_82 : i32
      %lt3A_84 = arith.constant 111 : i32
      %lt3A_85 = arith.cmpi slt, %add3A_81, %lt3A_84 : i32
      %and3A_86 = arith.andi %ge3A_83, %lt3A_85 : i1
      %convert_element_type3A_87 = arith.extui %and3A_86 : i1 to i32
      %cond3A_88 = arith.constant 0 : i32
      %cond3A_89 = arith.cmpi ne, %convert_element_type3A_87, %cond3A_88 : i32
      scf.if %cond3A_89 {
        %sub3A_180 = arith.constant 7 : i32
        %sub3A_181 = arith.subi %add3A_81, %sub3A_180 : i32
        %jit3A = arith.constant 4 : i32
        %div3A = arith.divsi %sub3A_181, %jit3A : i32
        %sign3A = arith.constant 0 : i32
        %sign3A_182 = arith.cmpi sgt, %sub3A_181, %sign3A : i32
        %sign3A_183 = arith.extui %sign3A_182 : i1 to i32
        %sign3A_184 = arith.constant 0 : i32
        %sign3A_185 = arith.cmpi slt, %sub3A_181, %sign3A_184 : i32
        %sign3A_186 = arith.extui %sign3A_185 : i1 to i32
        %sign3A_187 = arith.subi %sign3A_183, %sign3A_186 : i32
        %sign3A_188 = arith.constant 0 : i32
        %sign3A_189 = arith.cmpi sgt, %jit3A, %sign3A_188 : i32
        %sign3A_190 = arith.extui %sign3A_189 : i1 to i32
        %sign3A_191 = arith.constant 0 : i32
        %sign3A_192 = arith.cmpi slt, %jit3A, %sign3A_191 : i32
        %sign3A_193 = arith.extui %sign3A_192 : i1 to i32
        %sign3A_194 = arith.subi %sign3A_190, %sign3A_193 : i32
        %ne3A = arith.cmpi ne, %sign3A_187, %sign3A_194 : i32
        %rem3A = arith.remsi %sub3A_181, %jit3A : i32
        %ne3A_195 = arith.constant 0 : i32
        %ne3A_196 = arith.cmpi ne, %rem3A, %ne3A_195 : i32
        %and3A_197 = arith.andi %ne3A, %ne3A_196 : i1
        %sub3A_198 = arith.constant 1 : i32
        %sub3A_199 = arith.subi %div3A, %sub3A_198 : i32
        %select_n3A = arith.select %and3A_197, %sub3A_199, %div3A : i32
        %jit3A_200 = arith.constant 4 : i32
        %eq3A = arith.constant 0 : i32
        %eq3A_201 = arith.cmpi eq, %jit3A_200, %eq3A : i32
        %jit3A_202 = arith.constant 1 : i32
        %select_n3A_203 = arith.select %eq3A_201, %jit3A_202, %jit3A_200 : i32
        %rem3A_204 = arith.remsi %sub3A_181, %select_n3A_203 : i32
        %ne3A_205 = arith.constant 0 : i32
        %ne3A_206 = arith.cmpi ne, %rem3A_204, %ne3A_205 : i32
        %lt3A_207 = arith.constant 0 : i32
        %lt3A_208 = arith.cmpi slt, %rem3A_204, %lt3A_207 : i32
        %lt3A_209 = arith.constant 0 : i32
        %lt3A_210 = arith.cmpi slt, %select_n3A_203, %lt3A_209 : i32
        %ne3A_211 = arith.xori %lt3A_208, %lt3A_210 : i1
        %and3A_212 = arith.andi %ne3A_211, %ne3A_206 : i1
        %add3A_213 = arith.addi %rem3A_204, %select_n3A_203 : i32
        %select_n3A_214 = arith.select %and3A_212, %add3A_213, %rem3A_204 : i32
        %mul3A_215 = arith.constant 128 : i32
        %mul3A_216 = arith.muli %select_n3A_214, %mul3A_215 : i32
        %add3A_217 = arith.addi %mul3A_2, %mul3A_216 : i32
        %dma_wait3A = arith.constant 3 : i32
        %dma_wait3A_218 = arith.constant 0 : i32
        %dma_wait3A_219 = arith.constant 0 : i32
        %dma_wait3A_220 = tpu.memref_slice %arg6[%dma_wait3A, %dma_wait3A_218, %dma_wait3A_219] : memref<7x128x128xf32, #tpu.memory_space<vmem>> -> memref<1x128x128xf32, #tpu.memory_space<vmem>>
        %dma_wait3A_221 = tpu.memref_squeeze %dma_wait3A_220 : memref<1x128x128xf32, #tpu.memory_space<vmem>> -> memref<128x128xf32, #tpu.memory_space<vmem>>
        %dma_wait3A_222 = arith.constant 0 : i32
        %dma_wait3A_223 = tpu.memref_slice %arg4[%select_n3A, %add3A_217, %dma_wait3A_222] : memref<26x16384x128xf32, #tpu.memory_space<hbm>> -> memref<1x128x128xf32, #tpu.memory_space<hbm>>
        %dma_wait3A_224 = tpu.memref_squeeze %dma_wait3A_223 : memref<1x128x128xf32, #tpu.memory_space<hbm>> -> memref<128x128xf32, #tpu.memory_space<hbm>>
        %dma_wait3A_225 = arith.constant 0 : i32
        %dma_wait3A_226 = tpu.memref_slice %arg4[%select_n3A, %add3A_217, %dma_wait3A_225] : memref<26x16384x128xf32, #tpu.memory_space<hbm>> -> memref<1x128x128xf32, #tpu.memory_space<hbm>>
        %dma_wait3A_227 = tpu.memref_squeeze %dma_wait3A_226 : memref<1x128x128xf32, #tpu.memory_space<hbm>> -> memref<128x128xf32, #tpu.memory_space<hbm>>
        %dma_wait3A_228 = arith.constant 0 : i32
        %dma_wait3A_229 = arith.constant 0 : i32
        %dma_wait3A_230 = tpu.memref_slice %arg6[%dma_wait3A, %dma_wait3A_228, %dma_wait3A_229] : memref<7x128x128xf32, #tpu.memory_space<vmem>> -> memref<1x128x128xf32, #tpu.memory_space<vmem>>
        %dma_wait3A_231 = tpu.memref_squeeze %dma_wait3A_230 : memref<1x128x128xf32, #tpu.memory_space<vmem>> -> memref<128x128xf32, #tpu.memory_space<vmem>>
        tpu.wait_dma2 semaphore(%arg17 : memref<!tpu.dma_semaphore, #tpu.memory_space<semaphore_mem>>) src(%dma_wait3A_231 : memref<128x128xf32, #tpu.memory_space<vmem>>) dst(%dma_wait3A_227 : memref<128x128xf32, #tpu.memory_space<hbm>>)
      } else {
      }
      %lt3A_90 = arith.constant 104 : i32
      %lt3A_91 = arith.cmpi slt, %add3A_81, %lt3A_90 : i32
      %convert_element_type3A_92 = arith.extui %lt3A_91 : i1 to i32
      %cond3A_93 = arith.constant 0 : i32
      %cond3A_94 = arith.cmpi ne, %convert_element_type3A_92, %cond3A_93 : i32
      scf.if %cond3A_94 {
        %dma_start3A = arith.constant 3 : i32
        %dma_start3A_180 = arith.constant 0 : i32
        %dma_start3A_181 = arith.constant 0 : i32
        %dma_start3A_182 = tpu.memref_slice %arg6[%dma_start3A, %dma_start3A_180, %dma_start3A_181] : memref<7x128x128xf32, #tpu.memory_space<vmem>> -> memref<1x128x128xf32, #tpu.memory_space<vmem>>
        %dma_start3A_183 = tpu.memref_squeeze %dma_start3A_182 : memref<1x128x128xf32, #tpu.memory_space<vmem>> -> memref<128x128xf32, #tpu.memory_space<vmem>>
        %dma_start3A_184 = arith.constant 0 : i32
        %dma_start3A_185 = tpu.memref_slice %arg5[%add3A_81, %dma_start3A_184] : memref<104x128xi32, #tpu.memory_space<vmem>> -> memref<1x128xi32, #tpu.memory_space<vmem>>
        %dma_start3A_186 = tpu.memref_squeeze %dma_start3A_185 : memref<1x128xi32, #tpu.memory_space<vmem>> -> memref<128xi32, #tpu.memory_space<vmem>>
        %dma_start3A_187 = arith.constant 0 : i32
        %dma_start3A_188 = arith.constant 0 : i32
        %dma_start3A_189 = tpu.memref_slice %arg2[%dma_start3A_187, %dma_start3A_188] : memref<100000x128xf32, #tpu.memory_space<hbm>> -> memref<100000x128xf32, #tpu.memory_space<hbm>>
        tpu.enqueue_indirect_dma source(%dma_start3A_189 : memref<100000x128xf32, #tpu.memory_space<hbm>>) target(%dma_start3A_183 : memref<128x128xf32, #tpu.memory_space<vmem>>) offsets(%dma_start3A_186 : memref<128xi32, #tpu.memory_space<vmem>>) semaphore(%arg10 : memref<!tpu.dma_semaphore, #tpu.memory_space<semaphore_mem>>)
      } else {
      }
      %sub3A_95 = arith.constant 5 : i32
      %sub3A_96 = arith.subi %add3A_81, %sub3A_95 : i32
      %ge3A_97 = arith.constant 0 : i32
      %ge3A_98 = arith.cmpi sge, %sub3A_96, %ge3A_97 : i32
      %lt3A_99 = arith.constant 104 : i32
      %lt3A_100 = arith.cmpi slt, %sub3A_96, %lt3A_99 : i32
      %and3A_101 = arith.andi %ge3A_98, %lt3A_100 : i1
      %convert_element_type3A_102 = arith.extui %and3A_101 : i1 to i32
      %cond3A_103 = arith.constant 0 : i32
      %cond3A_104 = arith.cmpi ne, %convert_element_type3A_102, %cond3A_103 : i32
      scf.if %cond3A_104 {
        %dma_wait3A = arith.constant 5 : i32
        %dma_wait3A_180 = arith.constant 0 : i32
        %dma_wait3A_181 = arith.constant 0 : i32
        %dma_wait3A_182 = tpu.memref_slice %arg6[%dma_wait3A, %dma_wait3A_180, %dma_wait3A_181] : memref<7x128x128xf32, #tpu.memory_space<vmem>> -> memref<1x128x128xf32, #tpu.memory_space<vmem>>
        %dma_wait3A_183 = tpu.memref_squeeze %dma_wait3A_182 : memref<1x128x128xf32, #tpu.memory_space<vmem>> -> memref<128x128xf32, #tpu.memory_space<vmem>>
        %dma_wait3A_184 = arith.constant 0 : i32
        %dma_wait3A_185 = tpu.memref_slice %arg5[%sub3A_96, %dma_wait3A_184] : memref<104x128xi32, #tpu.memory_space<vmem>> -> memref<1x128xi32, #tpu.memory_space<vmem>>
        %dma_wait3A_186 = tpu.memref_squeeze %dma_wait3A_185 : memref<1x128xi32, #tpu.memory_space<vmem>> -> memref<128xi32, #tpu.memory_space<vmem>>
        %dma_wait3A_187 = arith.constant 0 : i32
        %dma_wait3A_188 = arith.constant 0 : i32
        %dma_wait3A_189 = tpu.memref_slice %arg2[%dma_wait3A_187, %dma_wait3A_188] : memref<100000x128xf32, #tpu.memory_space<hbm>> -> memref<100000x128xf32, #tpu.memory_space<hbm>>
        tpu.wait_indirect_dma semaphore(%arg12 : memref<!tpu.dma_semaphore, #tpu.memory_space<semaphore_mem>>) src(%dma_wait3A_189 : memref<100000x128xf32, #tpu.memory_space<hbm>>) dst(%dma_wait3A_183 : memref<128x128xf32, #tpu.memory_space<vmem>>)
        %jit3A = arith.constant 4 : i32
        %div3A = arith.divsi %sub3A_96, %jit3A : i32
        %sign3A = arith.constant 0 : i32
        %sign3A_190 = arith.cmpi sgt, %sub3A_96, %sign3A : i32
        %sign3A_191 = arith.extui %sign3A_190 : i1 to i32
        %sign3A_192 = arith.constant 0 : i32
        %sign3A_193 = arith.cmpi slt, %sub3A_96, %sign3A_192 : i32
        %sign3A_194 = arith.extui %sign3A_193 : i1 to i32
        %sign3A_195 = arith.subi %sign3A_191, %sign3A_194 : i32
        %sign3A_196 = arith.constant 0 : i32
        %sign3A_197 = arith.cmpi sgt, %jit3A, %sign3A_196 : i32
        %sign3A_198 = arith.extui %sign3A_197 : i1 to i32
        %sign3A_199 = arith.constant 0 : i32
        %sign3A_200 = arith.cmpi slt, %jit3A, %sign3A_199 : i32
        %sign3A_201 = arith.extui %sign3A_200 : i1 to i32
        %sign3A_202 = arith.subi %sign3A_198, %sign3A_201 : i32
        %ne3A = arith.cmpi ne, %sign3A_195, %sign3A_202 : i32
        %rem3A = arith.remsi %sub3A_96, %jit3A : i32
        %ne3A_203 = arith.constant 0 : i32
        %ne3A_204 = arith.cmpi ne, %rem3A, %ne3A_203 : i32
        %and3A_205 = arith.andi %ne3A, %ne3A_204 : i1
        %sub3A_206 = arith.constant 1 : i32
        %sub3A_207 = arith.subi %div3A, %sub3A_206 : i32
        %select_n3A = arith.select %and3A_205, %sub3A_207, %div3A : i32
        %jit3A_208 = arith.constant 4 : i32
        %eq3A = arith.constant 0 : i32
        %eq3A_209 = arith.cmpi eq, %jit3A_208, %eq3A : i32
        %jit3A_210 = arith.constant 1 : i32
        %select_n3A_211 = arith.select %eq3A_209, %jit3A_210, %jit3A_208 : i32
        %rem3A_212 = arith.remsi %sub3A_96, %select_n3A_211 : i32
        %ne3A_213 = arith.constant 0 : i32
        %ne3A_214 = arith.cmpi ne, %rem3A_212, %ne3A_213 : i32
        %lt3A_215 = arith.constant 0 : i32
        %lt3A_216 = arith.cmpi slt, %rem3A_212, %lt3A_215 : i32
        %lt3A_217 = arith.constant 0 : i32
        %lt3A_218 = arith.cmpi slt, %select_n3A_211, %lt3A_217 : i32
        %ne3A_219 = arith.xori %lt3A_216, %lt3A_218 : i1
        %and3A_220 = arith.andi %ne3A_219, %ne3A_214 : i1
        %add3A_221 = arith.addi %rem3A_212, %select_n3A_211 : i32
        %select_n3A_222 = arith.select %and3A_220, %add3A_221, %rem3A_212 : i32
        %mul3A_223 = arith.constant 128 : i32
        %mul3A_224 = arith.muli %select_n3A_222, %mul3A_223 : i32
        %add3A_225 = arith.addi %mul3A_2, %mul3A_224 : i32
        %dma_start3A = arith.constant 5 : i32
        %dma_start3A_226 = arith.constant 0 : i32
        %dma_start3A_227 = arith.constant 0 : i32
        %dma_start3A_228 = tpu.memref_slice %arg6[%dma_start3A, %dma_start3A_226, %dma_start3A_227] : memref<7x128x128xf32, #tpu.memory_space<vmem>> -> memref<1x128x128xf32, #tpu.memory_space<vmem>>
        %dma_start3A_229 = tpu.memref_squeeze %dma_start3A_228 : memref<1x128x128xf32, #tpu.memory_space<vmem>> -> memref<128x128xf32, #tpu.memory_space<vmem>>
        %dma_start3A_230 = arith.constant 0 : i32
        %dma_start3A_231 = tpu.memref_slice %arg4[%select_n3A, %add3A_225, %dma_start3A_230] : memref<26x16384x128xf32, #tpu.memory_space<hbm>> -> memref<1x128x128xf32, #tpu.memory_space<hbm>>
        %dma_start3A_232 = tpu.memref_squeeze %dma_start3A_231 : memref<1x128x128xf32, #tpu.memory_space<hbm>> -> memref<128x128xf32, #tpu.memory_space<hbm>>
        %dma_start3A_233 = arith.constant 0 : i32
        %dma_start3A_234 = tpu.memref_slice %arg4[%select_n3A, %add3A_225, %dma_start3A_233] : memref<26x16384x128xf32, #tpu.memory_space<hbm>> -> memref<1x128x128xf32, #tpu.memory_space<hbm>>
        %dma_start3A_235 = tpu.memref_squeeze %dma_start3A_234 : memref<1x128x128xf32, #tpu.memory_space<hbm>> -> memref<128x128xf32, #tpu.memory_space<hbm>>
        %dma_start3A_236 = arith.constant 0 : i32
        %dma_start3A_237 = arith.constant 0 : i32
        %dma_start3A_238 = tpu.memref_slice %arg6[%dma_start3A, %dma_start3A_236, %dma_start3A_237] : memref<7x128x128xf32, #tpu.memory_space<vmem>> -> memref<1x128x128xf32, #tpu.memory_space<vmem>>
        %dma_start3A_239 = tpu.memref_squeeze %dma_start3A_238 : memref<1x128x128xf32, #tpu.memory_space<vmem>> -> memref<128x128xf32, #tpu.memory_space<vmem>>
        tpu.enqueue_dma source(%dma_start3A_239 : memref<128x128xf32, #tpu.memory_space<vmem>>) target(%dma_start3A_235 : memref<128x128xf32, #tpu.memory_space<hbm>>) target_semaphore(%arg19 : memref<!tpu.dma_semaphore, #tpu.memory_space<semaphore_mem>>)
      } else {
      }
      %add3A_105 = arith.constant 4 : i32
      %add3A_106 = arith.addi %mul3A_10, %add3A_105 : i32
      %ge3A_107 = arith.constant 7 : i32
      %ge3A_108 = arith.cmpi sge, %add3A_106, %ge3A_107 : i32
      %lt3A_109 = arith.constant 111 : i32
      %lt3A_110 = arith.cmpi slt, %add3A_106, %lt3A_109 : i32
      %and3A_111 = arith.andi %ge3A_108, %lt3A_110 : i1
      %convert_element_type3A_112 = arith.extui %and3A_111 : i1 to i32
      %cond3A_113 = arith.constant 0 : i32
      %cond3A_114 = arith.cmpi ne, %convert_element_type3A_112, %cond3A_113 : i32
      scf.if %cond3A_114 {
        %sub3A_180 = arith.constant 7 : i32
        %sub3A_181 = arith.subi %add3A_106, %sub3A_180 : i32
        %jit3A = arith.constant 4 : i32
        %div3A = arith.divsi %sub3A_181, %jit3A : i32
        %sign3A = arith.constant 0 : i32
        %sign3A_182 = arith.cmpi sgt, %sub3A_181, %sign3A : i32
        %sign3A_183 = arith.extui %sign3A_182 : i1 to i32
        %sign3A_184 = arith.constant 0 : i32
        %sign3A_185 = arith.cmpi slt, %sub3A_181, %sign3A_184 : i32
        %sign3A_186 = arith.extui %sign3A_185 : i1 to i32
        %sign3A_187 = arith.subi %sign3A_183, %sign3A_186 : i32
        %sign3A_188 = arith.constant 0 : i32
        %sign3A_189 = arith.cmpi sgt, %jit3A, %sign3A_188 : i32
        %sign3A_190 = arith.extui %sign3A_189 : i1 to i32
        %sign3A_191 = arith.constant 0 : i32
        %sign3A_192 = arith.cmpi slt, %jit3A, %sign3A_191 : i32
        %sign3A_193 = arith.extui %sign3A_192 : i1 to i32
        %sign3A_194 = arith.subi %sign3A_190, %sign3A_193 : i32
        %ne3A = arith.cmpi ne, %sign3A_187, %sign3A_194 : i32
        %rem3A = arith.remsi %sub3A_181, %jit3A : i32
        %ne3A_195 = arith.constant 0 : i32
        %ne3A_196 = arith.cmpi ne, %rem3A, %ne3A_195 : i32
        %and3A_197 = arith.andi %ne3A, %ne3A_196 : i1
        %sub3A_198 = arith.constant 1 : i32
        %sub3A_199 = arith.subi %div3A, %sub3A_198 : i32
        %select_n3A = arith.select %and3A_197, %sub3A_199, %div3A : i32
        %jit3A_200 = arith.constant 4 : i32
        %eq3A = arith.constant 0 : i32
        %eq3A_201 = arith.cmpi eq, %jit3A_200, %eq3A : i32
        %jit3A_202 = arith.constant 1 : i32
        %select_n3A_203 = arith.select %eq3A_201, %jit3A_202, %jit3A_200 : i32
        %rem3A_204 = arith.remsi %sub3A_181, %select_n3A_203 : i32
        %ne3A_205 = arith.constant 0 : i32
        %ne3A_206 = arith.cmpi ne, %rem3A_204, %ne3A_205 : i32
        %lt3A_207 = arith.constant 0 : i32
        %lt3A_208 = arith.cmpi slt, %rem3A_204, %lt3A_207 : i32
        %lt3A_209 = arith.constant 0 : i32
        %lt3A_210 = arith.cmpi slt, %select_n3A_203, %lt3A_209 : i32
        %ne3A_211 = arith.xori %lt3A_208, %lt3A_210 : i1
        %and3A_212 = arith.andi %ne3A_211, %ne3A_206 : i1
        %add3A_213 = arith.addi %rem3A_204, %select_n3A_203 : i32
        %select_n3A_214 = arith.select %and3A_212, %add3A_213, %rem3A_204 : i32
        %mul3A_215 = arith.constant 128 : i32
        %mul3A_216 = arith.muli %select_n3A_214, %mul3A_215 : i32
        %add3A_217 = arith.addi %mul3A_2, %mul3A_216 : i32
        %dma_wait3A = arith.constant 4 : i32
        %dma_wait3A_218 = arith.constant 0 : i32
        %dma_wait3A_219 = arith.constant 0 : i32
        %dma_wait3A_220 = tpu.memref_slice %arg6[%dma_wait3A, %dma_wait3A_218, %dma_wait3A_219] : memref<7x128x128xf32, #tpu.memory_space<vmem>> -> memref<1x128x128xf32, #tpu.memory_space<vmem>>
        %dma_wait3A_221 = tpu.memref_squeeze %dma_wait3A_220 : memref<1x128x128xf32, #tpu.memory_space<vmem>> -> memref<128x128xf32, #tpu.memory_space<vmem>>
        %dma_wait3A_222 = arith.constant 0 : i32
        %dma_wait3A_223 = tpu.memref_slice %arg4[%select_n3A, %add3A_217, %dma_wait3A_222] : memref<26x16384x128xf32, #tpu.memory_space<hbm>> -> memref<1x128x128xf32, #tpu.memory_space<hbm>>
        %dma_wait3A_224 = tpu.memref_squeeze %dma_wait3A_223 : memref<1x128x128xf32, #tpu.memory_space<hbm>> -> memref<128x128xf32, #tpu.memory_space<hbm>>
        %dma_wait3A_225 = arith.constant 0 : i32
        %dma_wait3A_226 = tpu.memref_slice %arg4[%select_n3A, %add3A_217, %dma_wait3A_225] : memref<26x16384x128xf32, #tpu.memory_space<hbm>> -> memref<1x128x128xf32, #tpu.memory_space<hbm>>
        %dma_wait3A_227 = tpu.memref_squeeze %dma_wait3A_226 : memref<1x128x128xf32, #tpu.memory_space<hbm>> -> memref<128x128xf32, #tpu.memory_space<hbm>>
        %dma_wait3A_228 = arith.constant 0 : i32
        %dma_wait3A_229 = arith.constant 0 : i32
        %dma_wait3A_230 = tpu.memref_slice %arg6[%dma_wait3A, %dma_wait3A_228, %dma_wait3A_229] : memref<7x128x128xf32, #tpu.memory_space<vmem>> -> memref<1x128x128xf32, #tpu.memory_space<vmem>>
        %dma_wait3A_231 = tpu.memref_squeeze %dma_wait3A_230 : memref<1x128x128xf32, #tpu.memory_space<vmem>> -> memref<128x128xf32, #tpu.memory_space<vmem>>
        tpu.wait_dma2 semaphore(%arg18 : memref<!tpu.dma_semaphore, #tpu.memory_space<semaphore_mem>>) src(%dma_wait3A_231 : memref<128x128xf32, #tpu.memory_space<vmem>>) dst(%dma_wait3A_227 : memref<128x128xf32, #tpu.memory_space<hbm>>)
      } else {
      }
      %lt3A_115 = arith.constant 104 : i32
      %lt3A_116 = arith.cmpi slt, %add3A_106, %lt3A_115 : i32
      %convert_element_type3A_117 = arith.extui %lt3A_116 : i1 to i32
      %cond3A_118 = arith.constant 0 : i32
      %cond3A_119 = arith.cmpi ne, %convert_element_type3A_117, %cond3A_118 : i32
      scf.if %cond3A_119 {
        %dma_start3A = arith.constant 4 : i32
        %dma_start3A_180 = arith.constant 0 : i32
        %dma_start3A_181 = arith.constant 0 : i32
        %dma_start3A_182 = tpu.memref_slice %arg6[%dma_start3A, %dma_start3A_180, %dma_start3A_181] : memref<7x128x128xf32, #tpu.memory_space<vmem>> -> memref<1x128x128xf32, #tpu.memory_space<vmem>>
        %dma_start3A_183 = tpu.memref_squeeze %dma_start3A_182 : memref<1x128x128xf32, #tpu.memory_space<vmem>> -> memref<128x128xf32, #tpu.memory_space<vmem>>
        %dma_start3A_184 = arith.constant 0 : i32
        %dma_start3A_185 = tpu.memref_slice %arg5[%add3A_106, %dma_start3A_184] : memref<104x128xi32, #tpu.memory_space<vmem>> -> memref<1x128xi32, #tpu.memory_space<vmem>>
        %dma_start3A_186 = tpu.memref_squeeze %dma_start3A_185 : memref<1x128xi32, #tpu.memory_space<vmem>> -> memref<128xi32, #tpu.memory_space<vmem>>
        %dma_start3A_187 = arith.constant 0 : i32
        %dma_start3A_188 = arith.constant 0 : i32
        %dma_start3A_189 = tpu.memref_slice %arg2[%dma_start3A_187, %dma_start3A_188] : memref<100000x128xf32, #tpu.memory_space<hbm>> -> memref<100000x128xf32, #tpu.memory_space<hbm>>
        tpu.enqueue_indirect_dma source(%dma_start3A_189 : memref<100000x128xf32, #tpu.memory_space<hbm>>) target(%dma_start3A_183 : memref<128x128xf32, #tpu.memory_space<vmem>>) offsets(%dma_start3A_186 : memref<128xi32, #tpu.memory_space<vmem>>) semaphore(%arg11 : memref<!tpu.dma_semaphore, #tpu.memory_space<semaphore_mem>>)
      } else {
      }
      %sub3A_120 = arith.constant 5 : i32
      %sub3A_121 = arith.subi %add3A_106, %sub3A_120 : i32
      %ge3A_122 = arith.constant 0 : i32
      %ge3A_123 = arith.cmpi sge, %sub3A_121, %ge3A_122 : i32
      %lt3A_124 = arith.constant 104 : i32
      %lt3A_125 = arith.cmpi slt, %sub3A_121, %lt3A_124 : i32
      %and3A_126 = arith.andi %ge3A_123, %lt3A_125 : i1
      %convert_element_type3A_127 = arith.extui %and3A_126 : i1 to i32
      %cond3A_128 = arith.constant 0 : i32
      %cond3A_129 = arith.cmpi ne, %convert_element_type3A_127, %cond3A_128 : i32
      scf.if %cond3A_129 {
        %dma_wait3A = arith.constant 6 : i32
        %dma_wait3A_180 = arith.constant 0 : i32
        %dma_wait3A_181 = arith.constant 0 : i32
        %dma_wait3A_182 = tpu.memref_slice %arg6[%dma_wait3A, %dma_wait3A_180, %dma_wait3A_181] : memref<7x128x128xf32, #tpu.memory_space<vmem>> -> memref<1x128x128xf32, #tpu.memory_space<vmem>>
        %dma_wait3A_183 = tpu.memref_squeeze %dma_wait3A_182 : memref<1x128x128xf32, #tpu.memory_space<vmem>> -> memref<128x128xf32, #tpu.memory_space<vmem>>
        %dma_wait3A_184 = arith.constant 0 : i32
        %dma_wait3A_185 = tpu.memref_slice %arg5[%sub3A_121, %dma_wait3A_184] : memref<104x128xi32, #tpu.memory_space<vmem>> -> memref<1x128xi32, #tpu.memory_space<vmem>>
        %dma_wait3A_186 = tpu.memref_squeeze %dma_wait3A_185 : memref<1x128xi32, #tpu.memory_space<vmem>> -> memref<128xi32, #tpu.memory_space<vmem>>
        %dma_wait3A_187 = arith.constant 0 : i32
        %dma_wait3A_188 = arith.constant 0 : i32
        %dma_wait3A_189 = tpu.memref_slice %arg2[%dma_wait3A_187, %dma_wait3A_188] : memref<100000x128xf32, #tpu.memory_space<hbm>> -> memref<100000x128xf32, #tpu.memory_space<hbm>>
        tpu.wait_indirect_dma semaphore(%arg13 : memref<!tpu.dma_semaphore, #tpu.memory_space<semaphore_mem>>) src(%dma_wait3A_189 : memref<100000x128xf32, #tpu.memory_space<hbm>>) dst(%dma_wait3A_183 : memref<128x128xf32, #tpu.memory_space<vmem>>)
        %jit3A = arith.constant 4 : i32
        %div3A = arith.divsi %sub3A_121, %jit3A : i32
        %sign3A = arith.constant 0 : i32
        %sign3A_190 = arith.cmpi sgt, %sub3A_121, %sign3A : i32
        %sign3A_191 = arith.extui %sign3A_190 : i1 to i32
        %sign3A_192 = arith.constant 0 : i32
        %sign3A_193 = arith.cmpi slt, %sub3A_121, %sign3A_192 : i32
        %sign3A_194 = arith.extui %sign3A_193 : i1 to i32
        %sign3A_195 = arith.subi %sign3A_191, %sign3A_194 : i32
        %sign3A_196 = arith.constant 0 : i32
        %sign3A_197 = arith.cmpi sgt, %jit3A, %sign3A_196 : i32
        %sign3A_198 = arith.extui %sign3A_197 : i1 to i32
        %sign3A_199 = arith.constant 0 : i32
        %sign3A_200 = arith.cmpi slt, %jit3A, %sign3A_199 : i32
        %sign3A_201 = arith.extui %sign3A_200 : i1 to i32
        %sign3A_202 = arith.subi %sign3A_198, %sign3A_201 : i32
        %ne3A = arith.cmpi ne, %sign3A_195, %sign3A_202 : i32
        %rem3A = arith.remsi %sub3A_121, %jit3A : i32
        %ne3A_203 = arith.constant 0 : i32
        %ne3A_204 = arith.cmpi ne, %rem3A, %ne3A_203 : i32
        %and3A_205 = arith.andi %ne3A, %ne3A_204 : i1
        %sub3A_206 = arith.constant 1 : i32
        %sub3A_207 = arith.subi %div3A, %sub3A_206 : i32
        %select_n3A = arith.select %and3A_205, %sub3A_207, %div3A : i32
        %jit3A_208 = arith.constant 4 : i32
        %eq3A = arith.constant 0 : i32
        %eq3A_209 = arith.cmpi eq, %jit3A_208, %eq3A : i32
        %jit3A_210 = arith.constant 1 : i32
        %select_n3A_211 = arith.select %eq3A_209, %jit3A_210, %jit3A_208 : i32
        %rem3A_212 = arith.remsi %sub3A_121, %select_n3A_211 : i32
        %ne3A_213 = arith.constant 0 : i32
        %ne3A_214 = arith.cmpi ne, %rem3A_212, %ne3A_213 : i32
        %lt3A_215 = arith.constant 0 : i32
        %lt3A_216 = arith.cmpi slt, %rem3A_212, %lt3A_215 : i32
        %lt3A_217 = arith.constant 0 : i32
        %lt3A_218 = arith.cmpi slt, %select_n3A_211, %lt3A_217 : i32
        %ne3A_219 = arith.xori %lt3A_216, %lt3A_218 : i1
        %and3A_220 = arith.andi %ne3A_219, %ne3A_214 : i1
        %add3A_221 = arith.addi %rem3A_212, %select_n3A_211 : i32
        %select_n3A_222 = arith.select %and3A_220, %add3A_221, %rem3A_212 : i32
        %mul3A_223 = arith.constant 128 : i32
        %mul3A_224 = arith.muli %select_n3A_222, %mul3A_223 : i32
        %add3A_225 = arith.addi %mul3A_2, %mul3A_224 : i32
        %dma_start3A = arith.constant 6 : i32
        %dma_start3A_226 = arith.constant 0 : i32
        %dma_start3A_227 = arith.constant 0 : i32
        %dma_start3A_228 = tpu.memref_slice %arg6[%dma_start3A, %dma_start3A_226, %dma_start3A_227] : memref<7x128x128xf32, #tpu.memory_space<vmem>> -> memref<1x128x128xf32, #tpu.memory_space<vmem>>
        %dma_start3A_229 = tpu.memref_squeeze %dma_start3A_228 : memref<1x128x128xf32, #tpu.memory_space<vmem>> -> memref<128x128xf32, #tpu.memory_space<vmem>>
        %dma_start3A_230 = arith.constant 0 : i32
        %dma_start3A_231 = tpu.memref_slice %arg4[%select_n3A, %add3A_225, %dma_start3A_230] : memref<26x16384x128xf32, #tpu.memory_space<hbm>> -> memref<1x128x128xf32, #tpu.memory_space<hbm>>
        %dma_start3A_232 = tpu.memref_squeeze %dma_start3A_231 : memref<1x128x128xf32, #tpu.memory_space<hbm>> -> memref<128x128xf32, #tpu.memory_space<hbm>>
        %dma_start3A_233 = arith.constant 0 : i32
        %dma_start3A_234 = tpu.memref_slice %arg4[%select_n3A, %add3A_225, %dma_start3A_233] : memref<26x16384x128xf32, #tpu.memory_space<hbm>> -> memref<1x128x128xf32, #tpu.memory_space<hbm>>
        %dma_start3A_235 = tpu.memref_squeeze %dma_start3A_234 : memref<1x128x128xf32, #tpu.memory_space<hbm>> -> memref<128x128xf32, #tpu.memory_space<hbm>>
        %dma_start3A_236 = arith.constant 0 : i32
        %dma_start3A_237 = arith.constant 0 : i32
        %dma_start3A_238 = tpu.memref_slice %arg6[%dma_start3A, %dma_start3A_236, %dma_start3A_237] : memref<7x128x128xf32, #tpu.memory_space<vmem>> -> memref<1x128x128xf32, #tpu.memory_space<vmem>>
        %dma_start3A_239 = tpu.memref_squeeze %dma_start3A_238 : memref<1x128x128xf32, #tpu.memory_space<vmem>> -> memref<128x128xf32, #tpu.memory_space<vmem>>
        tpu.enqueue_dma source(%dma_start3A_239 : memref<128x128xf32, #tpu.memory_space<vmem>>) target(%dma_start3A_235 : memref<128x128xf32, #tpu.memory_space<hbm>>) target_semaphore(%arg20 : memref<!tpu.dma_semaphore, #tpu.memory_space<semaphore_mem>>)
      } else {
      }
      %add3A_130 = arith.constant 5 : i32
      %add3A_131 = arith.addi %mul3A_10, %add3A_130 : i32
      %ge3A_132 = arith.constant 7 : i32
      %ge3A_133 = arith.cmpi sge, %add3A_131, %ge3A_132 : i32
      %lt3A_134 = arith.constant 111 : i32
      %lt3A_135 = arith.cmpi slt, %add3A_131, %lt3A_134 : i32
      %and3A_136 = arith.andi %ge3A_133, %lt3A_135 : i1
      %convert_element_type3A_137 = arith.extui %and3A_136 : i1 to i32
      %cond3A_138 = arith.constant 0 : i32
      %cond3A_139 = arith.cmpi ne, %convert_element_type3A_137, %cond3A_138 : i32
      scf.if %cond3A_139 {
        %sub3A_180 = arith.constant 7 : i32
        %sub3A_181 = arith.subi %add3A_131, %sub3A_180 : i32
        %jit3A = arith.constant 4 : i32
        %div3A = arith.divsi %sub3A_181, %jit3A : i32
        %sign3A = arith.constant 0 : i32
        %sign3A_182 = arith.cmpi sgt, %sub3A_181, %sign3A : i32
        %sign3A_183 = arith.extui %sign3A_182 : i1 to i32
        %sign3A_184 = arith.constant 0 : i32
        %sign3A_185 = arith.cmpi slt, %sub3A_181, %sign3A_184 : i32
        %sign3A_186 = arith.extui %sign3A_185 : i1 to i32
        %sign3A_187 = arith.subi %sign3A_183, %sign3A_186 : i32
        %sign3A_188 = arith.constant 0 : i32
        %sign3A_189 = arith.cmpi sgt, %jit3A, %sign3A_188 : i32
        %sign3A_190 = arith.extui %sign3A_189 : i1 to i32
        %sign3A_191 = arith.constant 0 : i32
        %sign3A_192 = arith.cmpi slt, %jit3A, %sign3A_191 : i32
        %sign3A_193 = arith.extui %sign3A_192 : i1 to i32
        %sign3A_194 = arith.subi %sign3A_190, %sign3A_193 : i32
        %ne3A = arith.cmpi ne, %sign3A_187, %sign3A_194 : i32
        %rem3A = arith.remsi %sub3A_181, %jit3A : i32
        %ne3A_195 = arith.constant 0 : i32
        %ne3A_196 = arith.cmpi ne, %rem3A, %ne3A_195 : i32
        %and3A_197 = arith.andi %ne3A, %ne3A_196 : i1
        %sub3A_198 = arith.constant 1 : i32
        %sub3A_199 = arith.subi %div3A, %sub3A_198 : i32
        %select_n3A = arith.select %and3A_197, %sub3A_199, %div3A : i32
        %jit3A_200 = arith.constant 4 : i32
        %eq3A = arith.constant 0 : i32
        %eq3A_201 = arith.cmpi eq, %jit3A_200, %eq3A : i32
        %jit3A_202 = arith.constant 1 : i32
        %select_n3A_203 = arith.select %eq3A_201, %jit3A_202, %jit3A_200 : i32
        %rem3A_204 = arith.remsi %sub3A_181, %select_n3A_203 : i32
        %ne3A_205 = arith.constant 0 : i32
        %ne3A_206 = arith.cmpi ne, %rem3A_204, %ne3A_205 : i32
        %lt3A_207 = arith.constant 0 : i32
        %lt3A_208 = arith.cmpi slt, %rem3A_204, %lt3A_207 : i32
        %lt3A_209 = arith.constant 0 : i32
        %lt3A_210 = arith.cmpi slt, %select_n3A_203, %lt3A_209 : i32
        %ne3A_211 = arith.xori %lt3A_208, %lt3A_210 : i1
        %and3A_212 = arith.andi %ne3A_211, %ne3A_206 : i1
        %add3A_213 = arith.addi %rem3A_204, %select_n3A_203 : i32
        %select_n3A_214 = arith.select %and3A_212, %add3A_213, %rem3A_204 : i32
        %mul3A_215 = arith.constant 128 : i32
        %mul3A_216 = arith.muli %select_n3A_214, %mul3A_215 : i32
        %add3A_217 = arith.addi %mul3A_2, %mul3A_216 : i32
        %dma_wait3A = arith.constant 5 : i32
        %dma_wait3A_218 = arith.constant 0 : i32
        %dma_wait3A_219 = arith.constant 0 : i32
        %dma_wait3A_220 = tpu.memref_slice %arg6[%dma_wait3A, %dma_wait3A_218, %dma_wait3A_219] : memref<7x128x128xf32, #tpu.memory_space<vmem>> -> memref<1x128x128xf32, #tpu.memory_space<vmem>>
        %dma_wait3A_221 = tpu.memref_squeeze %dma_wait3A_220 : memref<1x128x128xf32, #tpu.memory_space<vmem>> -> memref<128x128xf32, #tpu.memory_space<vmem>>
        %dma_wait3A_222 = arith.constant 0 : i32
        %dma_wait3A_223 = tpu.memref_slice %arg4[%select_n3A, %add3A_217, %dma_wait3A_222] : memref<26x16384x128xf32, #tpu.memory_space<hbm>> -> memref<1x128x128xf32, #tpu.memory_space<hbm>>
        %dma_wait3A_224 = tpu.memref_squeeze %dma_wait3A_223 : memref<1x128x128xf32, #tpu.memory_space<hbm>> -> memref<128x128xf32, #tpu.memory_space<hbm>>
        %dma_wait3A_225 = arith.constant 0 : i32
        %dma_wait3A_226 = tpu.memref_slice %arg4[%select_n3A, %add3A_217, %dma_wait3A_225] : memref<26x16384x128xf32, #tpu.memory_space<hbm>> -> memref<1x128x128xf32, #tpu.memory_space<hbm>>
        %dma_wait3A_227 = tpu.memref_squeeze %dma_wait3A_226 : memref<1x128x128xf32, #tpu.memory_space<hbm>> -> memref<128x128xf32, #tpu.memory_space<hbm>>
        %dma_wait3A_228 = arith.constant 0 : i32
        %dma_wait3A_229 = arith.constant 0 : i32
        %dma_wait3A_230 = tpu.memref_slice %arg6[%dma_wait3A, %dma_wait3A_228, %dma_wait3A_229] : memref<7x128x128xf32, #tpu.memory_space<vmem>> -> memref<1x128x128xf32, #tpu.memory_space<vmem>>
        %dma_wait3A_231 = tpu.memref_squeeze %dma_wait3A_230 : memref<1x128x128xf32, #tpu.memory_space<vmem>> -> memref<128x128xf32, #tpu.memory_space<vmem>>
        tpu.wait_dma2 semaphore(%arg19 : memref<!tpu.dma_semaphore, #tpu.memory_space<semaphore_mem>>) src(%dma_wait3A_231 : memref<128x128xf32, #tpu.memory_space<vmem>>) dst(%dma_wait3A_227 : memref<128x128xf32, #tpu.memory_space<hbm>>)
      } else {
      }
      %lt3A_140 = arith.constant 104 : i32
      %lt3A_141 = arith.cmpi slt, %add3A_131, %lt3A_140 : i32
      %convert_element_type3A_142 = arith.extui %lt3A_141 : i1 to i32
      %cond3A_143 = arith.constant 0 : i32
      %cond3A_144 = arith.cmpi ne, %convert_element_type3A_142, %cond3A_143 : i32
      scf.if %cond3A_144 {
        %dma_start3A = arith.constant 5 : i32
        %dma_start3A_180 = arith.constant 0 : i32
        %dma_start3A_181 = arith.constant 0 : i32
        %dma_start3A_182 = tpu.memref_slice %arg6[%dma_start3A, %dma_start3A_180, %dma_start3A_181] : memref<7x128x128xf32, #tpu.memory_space<vmem>> -> memref<1x128x128xf32, #tpu.memory_space<vmem>>
        %dma_start3A_183 = tpu.memref_squeeze %dma_start3A_182 : memref<1x128x128xf32, #tpu.memory_space<vmem>> -> memref<128x128xf32, #tpu.memory_space<vmem>>
        %dma_start3A_184 = arith.constant 0 : i32
        %dma_start3A_185 = tpu.memref_slice %arg5[%add3A_131, %dma_start3A_184] : memref<104x128xi32, #tpu.memory_space<vmem>> -> memref<1x128xi32, #tpu.memory_space<vmem>>
        %dma_start3A_186 = tpu.memref_squeeze %dma_start3A_185 : memref<1x128xi32, #tpu.memory_space<vmem>> -> memref<128xi32, #tpu.memory_space<vmem>>
        %dma_start3A_187 = arith.constant 0 : i32
        %dma_start3A_188 = arith.constant 0 : i32
        %dma_start3A_189 = tpu.memref_slice %arg2[%dma_start3A_187, %dma_start3A_188] : memref<100000x128xf32, #tpu.memory_space<hbm>> -> memref<100000x128xf32, #tpu.memory_space<hbm>>
        tpu.enqueue_indirect_dma source(%dma_start3A_189 : memref<100000x128xf32, #tpu.memory_space<hbm>>) target(%dma_start3A_183 : memref<128x128xf32, #tpu.memory_space<vmem>>) offsets(%dma_start3A_186 : memref<128xi32, #tpu.memory_space<vmem>>) semaphore(%arg12 : memref<!tpu.dma_semaphore, #tpu.memory_space<semaphore_mem>>)
      } else {
      }
      %sub3A_145 = arith.constant 5 : i32
      %sub3A_146 = arith.subi %add3A_131, %sub3A_145 : i32
      %ge3A_147 = arith.constant 0 : i32
      %ge3A_148 = arith.cmpi sge, %sub3A_146, %ge3A_147 : i32
      %lt3A_149 = arith.constant 104 : i32
      %lt3A_150 = arith.cmpi slt, %sub3A_146, %lt3A_149 : i32
      %and3A_151 = arith.andi %ge3A_148, %lt3A_150 : i1
      %convert_element_type3A_152 = arith.extui %and3A_151 : i1 to i32
      %cond3A_153 = arith.constant 0 : i32
      %cond3A_154 = arith.cmpi ne, %convert_element_type3A_152, %cond3A_153 : i32
      scf.if %cond3A_154 {
        %dma_wait3A = arith.constant 0 : i32
        %dma_wait3A_180 = arith.constant 0 : i32
        %dma_wait3A_181 = arith.constant 0 : i32
        %dma_wait3A_182 = tpu.memref_slice %arg6[%dma_wait3A, %dma_wait3A_180, %dma_wait3A_181] : memref<7x128x128xf32, #tpu.memory_space<vmem>> -> memref<1x128x128xf32, #tpu.memory_space<vmem>>
        %dma_wait3A_183 = tpu.memref_squeeze %dma_wait3A_182 : memref<1x128x128xf32, #tpu.memory_space<vmem>> -> memref<128x128xf32, #tpu.memory_space<vmem>>
        %dma_wait3A_184 = arith.constant 0 : i32
        %dma_wait3A_185 = tpu.memref_slice %arg5[%sub3A_146, %dma_wait3A_184] : memref<104x128xi32, #tpu.memory_space<vmem>> -> memref<1x128xi32, #tpu.memory_space<vmem>>
        %dma_wait3A_186 = tpu.memref_squeeze %dma_wait3A_185 : memref<1x128xi32, #tpu.memory_space<vmem>> -> memref<128xi32, #tpu.memory_space<vmem>>
        %dma_wait3A_187 = arith.constant 0 : i32
        %dma_wait3A_188 = arith.constant 0 : i32
        %dma_wait3A_189 = tpu.memref_slice %arg2[%dma_wait3A_187, %dma_wait3A_188] : memref<100000x128xf32, #tpu.memory_space<hbm>> -> memref<100000x128xf32, #tpu.memory_space<hbm>>
        tpu.wait_indirect_dma semaphore(%arg7 : memref<!tpu.dma_semaphore, #tpu.memory_space<semaphore_mem>>) src(%dma_wait3A_189 : memref<100000x128xf32, #tpu.memory_space<hbm>>) dst(%dma_wait3A_183 : memref<128x128xf32, #tpu.memory_space<vmem>>)
        %jit3A = arith.constant 4 : i32
        %div3A = arith.divsi %sub3A_146, %jit3A : i32
        %sign3A = arith.constant 0 : i32
        %sign3A_190 = arith.cmpi sgt, %sub3A_146, %sign3A : i32
        %sign3A_191 = arith.extui %sign3A_190 : i1 to i32
        %sign3A_192 = arith.constant 0 : i32
        %sign3A_193 = arith.cmpi slt, %sub3A_146, %sign3A_192 : i32
        %sign3A_194 = arith.extui %sign3A_193 : i1 to i32
        %sign3A_195 = arith.subi %sign3A_191, %sign3A_194 : i32
        %sign3A_196 = arith.constant 0 : i32
        %sign3A_197 = arith.cmpi sgt, %jit3A, %sign3A_196 : i32
        %sign3A_198 = arith.extui %sign3A_197 : i1 to i32
        %sign3A_199 = arith.constant 0 : i32
        %sign3A_200 = arith.cmpi slt, %jit3A, %sign3A_199 : i32
        %sign3A_201 = arith.extui %sign3A_200 : i1 to i32
        %sign3A_202 = arith.subi %sign3A_198, %sign3A_201 : i32
        %ne3A = arith.cmpi ne, %sign3A_195, %sign3A_202 : i32
        %rem3A = arith.remsi %sub3A_146, %jit3A : i32
        %ne3A_203 = arith.constant 0 : i32
        %ne3A_204 = arith.cmpi ne, %rem3A, %ne3A_203 : i32
        %and3A_205 = arith.andi %ne3A, %ne3A_204 : i1
        %sub3A_206 = arith.constant 1 : i32
        %sub3A_207 = arith.subi %div3A, %sub3A_206 : i32
        %select_n3A = arith.select %and3A_205, %sub3A_207, %div3A : i32
        %jit3A_208 = arith.constant 4 : i32
        %eq3A = arith.constant 0 : i32
        %eq3A_209 = arith.cmpi eq, %jit3A_208, %eq3A : i32
        %jit3A_210 = arith.constant 1 : i32
        %select_n3A_211 = arith.select %eq3A_209, %jit3A_210, %jit3A_208 : i32
        %rem3A_212 = arith.remsi %sub3A_146, %select_n3A_211 : i32
        %ne3A_213 = arith.constant 0 : i32
        %ne3A_214 = arith.cmpi ne, %rem3A_212, %ne3A_213 : i32
        %lt3A_215 = arith.constant 0 : i32
        %lt3A_216 = arith.cmpi slt, %rem3A_212, %lt3A_215 : i32
        %lt3A_217 = arith.constant 0 : i32
        %lt3A_218 = arith.cmpi slt, %select_n3A_211, %lt3A_217 : i32
        %ne3A_219 = arith.xori %lt3A_216, %lt3A_218 : i1
        %and3A_220 = arith.andi %ne3A_219, %ne3A_214 : i1
        %add3A_221 = arith.addi %rem3A_212, %select_n3A_211 : i32
        %select_n3A_222 = arith.select %and3A_220, %add3A_221, %rem3A_212 : i32
        %mul3A_223 = arith.constant 128 : i32
        %mul3A_224 = arith.muli %select_n3A_222, %mul3A_223 : i32
        %add3A_225 = arith.addi %mul3A_2, %mul3A_224 : i32
        %dma_start3A = arith.constant 0 : i32
        %dma_start3A_226 = arith.constant 0 : i32
        %dma_start3A_227 = arith.constant 0 : i32
        %dma_start3A_228 = tpu.memref_slice %arg6[%dma_start3A, %dma_start3A_226, %dma_start3A_227] : memref<7x128x128xf32, #tpu.memory_space<vmem>> -> memref<1x128x128xf32, #tpu.memory_space<vmem>>
        %dma_start3A_229 = tpu.memref_squeeze %dma_start3A_228 : memref<1x128x128xf32, #tpu.memory_space<vmem>> -> memref<128x128xf32, #tpu.memory_space<vmem>>
        %dma_start3A_230 = arith.constant 0 : i32
        %dma_start3A_231 = tpu.memref_slice %arg4[%select_n3A, %add3A_225, %dma_start3A_230] : memref<26x16384x128xf32, #tpu.memory_space<hbm>> -> memref<1x128x128xf32, #tpu.memory_space<hbm>>
        %dma_start3A_232 = tpu.memref_squeeze %dma_start3A_231 : memref<1x128x128xf32, #tpu.memory_space<hbm>> -> memref<128x128xf32, #tpu.memory_space<hbm>>
        %dma_start3A_233 = arith.constant 0 : i32
        %dma_start3A_234 = tpu.memref_slice %arg4[%select_n3A, %add3A_225, %dma_start3A_233] : memref<26x16384x128xf32, #tpu.memory_space<hbm>> -> memref<1x128x128xf32, #tpu.memory_space<hbm>>
        %dma_start3A_235 = tpu.memref_squeeze %dma_start3A_234 : memref<1x128x128xf32, #tpu.memory_space<hbm>> -> memref<128x128xf32, #tpu.memory_space<hbm>>
        %dma_start3A_236 = arith.constant 0 : i32
        %dma_start3A_237 = arith.constant 0 : i32
        %dma_start3A_238 = tpu.memref_slice %arg6[%dma_start3A, %dma_start3A_236, %dma_start3A_237] : memref<7x128x128xf32, #tpu.memory_space<vmem>> -> memref<1x128x128xf32, #tpu.memory_space<vmem>>
        %dma_start3A_239 = tpu.memref_squeeze %dma_start3A_238 : memref<1x128x128xf32, #tpu.memory_space<vmem>> -> memref<128x128xf32, #tpu.memory_space<vmem>>
        tpu.enqueue_dma source(%dma_start3A_239 : memref<128x128xf32, #tpu.memory_space<vmem>>) target(%dma_start3A_235 : memref<128x128xf32, #tpu.memory_space<hbm>>) target_semaphore(%arg14 : memref<!tpu.dma_semaphore, #tpu.memory_space<semaphore_mem>>)
      } else {
      }
      %add3A_155 = arith.constant 6 : i32
      %add3A_156 = arith.addi %mul3A_10, %add3A_155 : i32
      %ge3A_157 = arith.constant 7 : i32
      %ge3A_158 = arith.cmpi sge, %add3A_156, %ge3A_157 : i32
      %lt3A_159 = arith.constant 111 : i32
      %lt3A_160 = arith.cmpi slt, %add3A_156, %lt3A_159 : i32
      %and3A_161 = arith.andi %ge3A_158, %lt3A_160 : i1
      %convert_element_type3A_162 = arith.extui %and3A_161 : i1 to i32
      %cond3A_163 = arith.constant 0 : i32
      %cond3A_164 = arith.cmpi ne, %convert_element_type3A_162, %cond3A_163 : i32
      scf.if %cond3A_164 {
        %sub3A_180 = arith.constant 7 : i32
        %sub3A_181 = arith.subi %add3A_156, %sub3A_180 : i32
        %jit3A = arith.constant 4 : i32
        %div3A = arith.divsi %sub3A_181, %jit3A : i32
        %sign3A = arith.constant 0 : i32
        %sign3A_182 = arith.cmpi sgt, %sub3A_181, %sign3A : i32
        %sign3A_183 = arith.extui %sign3A_182 : i1 to i32
        %sign3A_184 = arith.constant 0 : i32
        %sign3A_185 = arith.cmpi slt, %sub3A_181, %sign3A_184 : i32
        %sign3A_186 = arith.extui %sign3A_185 : i1 to i32
        %sign3A_187 = arith.subi %sign3A_183, %sign3A_186 : i32
        %sign3A_188 = arith.constant 0 : i32
        %sign3A_189 = arith.cmpi sgt, %jit3A, %sign3A_188 : i32
        %sign3A_190 = arith.extui %sign3A_189 : i1 to i32
        %sign3A_191 = arith.constant 0 : i32
        %sign3A_192 = arith.cmpi slt, %jit3A, %sign3A_191 : i32
        %sign3A_193 = arith.extui %sign3A_192 : i1 to i32
        %sign3A_194 = arith.subi %sign3A_190, %sign3A_193 : i32
        %ne3A = arith.cmpi ne, %sign3A_187, %sign3A_194 : i32
        %rem3A = arith.remsi %sub3A_181, %jit3A : i32
        %ne3A_195 = arith.constant 0 : i32
        %ne3A_196 = arith.cmpi ne, %rem3A, %ne3A_195 : i32
        %and3A_197 = arith.andi %ne3A, %ne3A_196 : i1
        %sub3A_198 = arith.constant 1 : i32
        %sub3A_199 = arith.subi %div3A, %sub3A_198 : i32
        %select_n3A = arith.select %and3A_197, %sub3A_199, %div3A : i32
        %jit3A_200 = arith.constant 4 : i32
        %eq3A = arith.constant 0 : i32
        %eq3A_201 = arith.cmpi eq, %jit3A_200, %eq3A : i32
        %jit3A_202 = arith.constant 1 : i32
        %select_n3A_203 = arith.select %eq3A_201, %jit3A_202, %jit3A_200 : i32
        %rem3A_204 = arith.remsi %sub3A_181, %select_n3A_203 : i32
        %ne3A_205 = arith.constant 0 : i32
        %ne3A_206 = arith.cmpi ne, %rem3A_204, %ne3A_205 : i32
        %lt3A_207 = arith.constant 0 : i32
        %lt3A_208 = arith.cmpi slt, %rem3A_204, %lt3A_207 : i32
        %lt3A_209 = arith.constant 0 : i32
        %lt3A_210 = arith.cmpi slt, %select_n3A_203, %lt3A_209 : i32
        %ne3A_211 = arith.xori %lt3A_208, %lt3A_210 : i1
        %and3A_212 = arith.andi %ne3A_211, %ne3A_206 : i1
        %add3A_213 = arith.addi %rem3A_204, %select_n3A_203 : i32
        %select_n3A_214 = arith.select %and3A_212, %add3A_213, %rem3A_204 : i32
        %mul3A_215 = arith.constant 128 : i32
        %mul3A_216 = arith.muli %select_n3A_214, %mul3A_215 : i32
        %add3A_217 = arith.addi %mul3A_2, %mul3A_216 : i32
        %dma_wait3A = arith.constant 6 : i32
        %dma_wait3A_218 = arith.constant 0 : i32
        %dma_wait3A_219 = arith.constant 0 : i32
        %dma_wait3A_220 = tpu.memref_slice %arg6[%dma_wait3A, %dma_wait3A_218, %dma_wait3A_219] : memref<7x128x128xf32, #tpu.memory_space<vmem>> -> memref<1x128x128xf32, #tpu.memory_space<vmem>>
        %dma_wait3A_221 = tpu.memref_squeeze %dma_wait3A_220 : memref<1x128x128xf32, #tpu.memory_space<vmem>> -> memref<128x128xf32, #tpu.memory_space<vmem>>
        %dma_wait3A_222 = arith.constant 0 : i32
        %dma_wait3A_223 = tpu.memref_slice %arg4[%select_n3A, %add3A_217, %dma_wait3A_222] : memref<26x16384x128xf32, #tpu.memory_space<hbm>> -> memref<1x128x128xf32, #tpu.memory_space<hbm>>
        %dma_wait3A_224 = tpu.memref_squeeze %dma_wait3A_223 : memref<1x128x128xf32, #tpu.memory_space<hbm>> -> memref<128x128xf32, #tpu.memory_space<hbm>>
        %dma_wait3A_225 = arith.constant 0 : i32
        %dma_wait3A_226 = tpu.memref_slice %arg4[%select_n3A, %add3A_217, %dma_wait3A_225] : memref<26x16384x128xf32, #tpu.memory_space<hbm>> -> memref<1x128x128xf32, #tpu.memory_space<hbm>>
        %dma_wait3A_227 = tpu.memref_squeeze %dma_wait3A_226 : memref<1x128x128xf32, #tpu.memory_space<hbm>> -> memref<128x128xf32, #tpu.memory_space<hbm>>
        %dma_wait3A_228 = arith.constant 0 : i32
        %dma_wait3A_229 = arith.constant 0 : i32
        %dma_wait3A_230 = tpu.memref_slice %arg6[%dma_wait3A, %dma_wait3A_228, %dma_wait3A_229] : memref<7x128x128xf32, #tpu.memory_space<vmem>> -> memref<1x128x128xf32, #tpu.memory_space<vmem>>
        %dma_wait3A_231 = tpu.memref_squeeze %dma_wait3A_230 : memref<1x128x128xf32, #tpu.memory_space<vmem>> -> memref<128x128xf32, #tpu.memory_space<vmem>>
        tpu.wait_dma2 semaphore(%arg20 : memref<!tpu.dma_semaphore, #tpu.memory_space<semaphore_mem>>) src(%dma_wait3A_231 : memref<128x128xf32, #tpu.memory_space<vmem>>) dst(%dma_wait3A_227 : memref<128x128xf32, #tpu.memory_space<hbm>>)
      } else {
      }
      %lt3A_165 = arith.constant 104 : i32
      %lt3A_166 = arith.cmpi slt, %add3A_156, %lt3A_165 : i32
      %convert_element_type3A_167 = arith.extui %lt3A_166 : i1 to i32
      %cond3A_168 = arith.constant 0 : i32
      %cond3A_169 = arith.cmpi ne, %convert_element_type3A_167, %cond3A_168 : i32
      scf.if %cond3A_169 {
        %dma_start3A = arith.constant 6 : i32
        %dma_start3A_180 = arith.constant 0 : i32
        %dma_start3A_181 = arith.constant 0 : i32
        %dma_start3A_182 = tpu.memref_slice %arg6[%dma_start3A, %dma_start3A_180, %dma_start3A_181] : memref<7x128x128xf32, #tpu.memory_space<vmem>> -> memref<1x128x128xf32, #tpu.memory_space<vmem>>
        %dma_start3A_183 = tpu.memref_squeeze %dma_start3A_182 : memref<1x128x128xf32, #tpu.memory_space<vmem>> -> memref<128x128xf32, #tpu.memory_space<vmem>>
        %dma_start3A_184 = arith.constant 0 : i32
        %dma_start3A_185 = tpu.memref_slice %arg5[%add3A_156, %dma_start3A_184] : memref<104x128xi32, #tpu.memory_space<vmem>> -> memref<1x128xi32, #tpu.memory_space<vmem>>
        %dma_start3A_186 = tpu.memref_squeeze %dma_start3A_185 : memref<1x128xi32, #tpu.memory_space<vmem>> -> memref<128xi32, #tpu.memory_space<vmem>>
        %dma_start3A_187 = arith.constant 0 : i32
        %dma_start3A_188 = arith.constant 0 : i32
        %dma_start3A_189 = tpu.memref_slice %arg2[%dma_start3A_187, %dma_start3A_188] : memref<100000x128xf32, #tpu.memory_space<hbm>> -> memref<100000x128xf32, #tpu.memory_space<hbm>>
        tpu.enqueue_indirect_dma source(%dma_start3A_189 : memref<100000x128xf32, #tpu.memory_space<hbm>>) target(%dma_start3A_183 : memref<128x128xf32, #tpu.memory_space<vmem>>) offsets(%dma_start3A_186 : memref<128xi32, #tpu.memory_space<vmem>>) semaphore(%arg13 : memref<!tpu.dma_semaphore, #tpu.memory_space<semaphore_mem>>)
      } else {
      }
      %sub3A_170 = arith.constant 5 : i32
      %sub3A_171 = arith.subi %add3A_156, %sub3A_170 : i32
      %ge3A_172 = arith.constant 0 : i32
      %ge3A_173 = arith.cmpi sge, %sub3A_171, %ge3A_172 : i32
      %lt3A_174 = arith.constant 104 : i32
      %lt3A_175 = arith.cmpi slt, %sub3A_171, %lt3A_174 : i32
      %and3A_176 = arith.andi %ge3A_173, %lt3A_175 : i1
      %convert_element_type3A_177 = arith.extui %and3A_176 : i1 to i32
      %cond3A_178 = arith.constant 0 : i32
      %cond3A_179 = arith.cmpi ne, %convert_element_type3A_177, %cond3A_178 : i32
      scf.if %cond3A_179 {
        %dma_wait3A = arith.constant 1 : i32
        %dma_wait3A_180 = arith.constant 0 : i32
        %dma_wait3A_181 = arith.constant 0 : i32
        %dma_wait3A_182 = tpu.memref_slice %arg6[%dma_wait3A, %dma_wait3A_180, %dma_wait3A_181] : memref<7x128x128xf32, #tpu.memory_space<vmem>> -> memref<1x128x128xf32, #tpu.memory_space<vmem>>
        %dma_wait3A_183 = tpu.memref_squeeze %dma_wait3A_182 : memref<1x128x128xf32, #tpu.memory_space<vmem>> -> memref<128x128xf32, #tpu.memory_space<vmem>>
        %dma_wait3A_184 = arith.constant 0 : i32
        %dma_wait3A_185 = tpu.memref_slice %arg5[%sub3A_171, %dma_wait3A_184] : memref<104x128xi32, #tpu.memory_space<vmem>> -> memref<1x128xi32, #tpu.memory_space<vmem>>
        %dma_wait3A_186 = tpu.memref_squeeze %dma_wait3A_185 : memref<1x128xi32, #tpu.memory_space<vmem>> -> memref<128xi32, #tpu.memory_space<vmem>>
        %dma_wait3A_187 = arith.constant 0 : i32
        %dma_wait3A_188 = arith.constant 0 : i32
        %dma_wait3A_189 = tpu.memref_slice %arg2[%dma_wait3A_187, %dma_wait3A_188] : memref<100000x128xf32, #tpu.memory_space<hbm>> -> memref<100000x128xf32, #tpu.memory_space<hbm>>
        tpu.wait_indirect_dma semaphore(%arg8 : memref<!tpu.dma_semaphore, #tpu.memory_space<semaphore_mem>>) src(%dma_wait3A_189 : memref<100000x128xf32, #tpu.memory_space<hbm>>) dst(%dma_wait3A_183 : memref<128x128xf32, #tpu.memory_space<vmem>>)
        %jit3A = arith.constant 4 : i32
        %div3A = arith.divsi %sub3A_171, %jit3A : i32
        %sign3A = arith.constant 0 : i32
        %sign3A_190 = arith.cmpi sgt, %sub3A_171, %sign3A : i32
        %sign3A_191 = arith.extui %sign3A_190 : i1 to i32
        %sign3A_192 = arith.constant 0 : i32
        %sign3A_193 = arith.cmpi slt, %sub3A_171, %sign3A_192 : i32
        %sign3A_194 = arith.extui %sign3A_193 : i1 to i32
        %sign3A_195 = arith.subi %sign3A_191, %sign3A_194 : i32
        %sign3A_196 = arith.constant 0 : i32
        %sign3A_197 = arith.cmpi sgt, %jit3A, %sign3A_196 : i32
        %sign3A_198 = arith.extui %sign3A_197 : i1 to i32
        %sign3A_199 = arith.constant 0 : i32
        %sign3A_200 = arith.cmpi slt, %jit3A, %sign3A_199 : i32
        %sign3A_201 = arith.extui %sign3A_200 : i1 to i32
        %sign3A_202 = arith.subi %sign3A_198, %sign3A_201 : i32
        %ne3A = arith.cmpi ne, %sign3A_195, %sign3A_202 : i32
        %rem3A = arith.remsi %sub3A_171, %jit3A : i32
        %ne3A_203 = arith.constant 0 : i32
        %ne3A_204 = arith.cmpi ne, %rem3A, %ne3A_203 : i32
        %and3A_205 = arith.andi %ne3A, %ne3A_204 : i1
        %sub3A_206 = arith.constant 1 : i32
        %sub3A_207 = arith.subi %div3A, %sub3A_206 : i32
        %select_n3A = arith.select %and3A_205, %sub3A_207, %div3A : i32
        %jit3A_208 = arith.constant 4 : i32
        %eq3A = arith.constant 0 : i32
        %eq3A_209 = arith.cmpi eq, %jit3A_208, %eq3A : i32
        %jit3A_210 = arith.constant 1 : i32
        %select_n3A_211 = arith.select %eq3A_209, %jit3A_210, %jit3A_208 : i32
        %rem3A_212 = arith.remsi %sub3A_171, %select_n3A_211 : i32
        %ne3A_213 = arith.constant 0 : i32
        %ne3A_214 = arith.cmpi ne, %rem3A_212, %ne3A_213 : i32
        %lt3A_215 = arith.constant 0 : i32
        %lt3A_216 = arith.cmpi slt, %rem3A_212, %lt3A_215 : i32
        %lt3A_217 = arith.constant 0 : i32
        %lt3A_218 = arith.cmpi slt, %select_n3A_211, %lt3A_217 : i32
        %ne3A_219 = arith.xori %lt3A_216, %lt3A_218 : i1
        %and3A_220 = arith.andi %ne3A_219, %ne3A_214 : i1
        %add3A_221 = arith.addi %rem3A_212, %select_n3A_211 : i32
        %select_n3A_222 = arith.select %and3A_220, %add3A_221, %rem3A_212 : i32
        %mul3A_223 = arith.constant 128 : i32
        %mul3A_224 = arith.muli %select_n3A_222, %mul3A_223 : i32
        %add3A_225 = arith.addi %mul3A_2, %mul3A_224 : i32
        %dma_start3A = arith.constant 1 : i32
        %dma_start3A_226 = arith.constant 0 : i32
        %dma_start3A_227 = arith.constant 0 : i32
        %dma_start3A_228 = tpu.memref_slice %arg6[%dma_start3A, %dma_start3A_226, %dma_start3A_227] : memref<7x128x128xf32, #tpu.memory_space<vmem>> -> memref<1x128x128xf32, #tpu.memory_space<vmem>>
        %dma_start3A_229 = tpu.memref_squeeze %dma_start3A_228 : memref<1x128x128xf32, #tpu.memory_space<vmem>> -> memref<128x128xf32, #tpu.memory_space<vmem>>
        %dma_start3A_230 = arith.constant 0 : i32
        %dma_start3A_231 = tpu.memref_slice %arg4[%select_n3A, %add3A_225, %dma_start3A_230] : memref<26x16384x128xf32, #tpu.memory_space<hbm>> -> memref<1x128x128xf32, #tpu.memory_space<hbm>>
        %dma_start3A_232 = tpu.memref_squeeze %dma_start3A_231 : memref<1x128x128xf32, #tpu.memory_space<hbm>> -> memref<128x128xf32, #tpu.memory_space<hbm>>
        %dma_start3A_233 = arith.constant 0 : i32
        %dma_start3A_234 = tpu.memref_slice %arg4[%select_n3A, %add3A_225, %dma_start3A_233] : memref<26x16384x128xf32, #tpu.memory_space<hbm>> -> memref<1x128x128xf32, #tpu.memory_space<hbm>>
        %dma_start3A_235 = tpu.memref_squeeze %dma_start3A_234 : memref<1x128x128xf32, #tpu.memory_space<hbm>> -> memref<128x128xf32, #tpu.memory_space<hbm>>
        %dma_start3A_236 = arith.constant 0 : i32
        %dma_start3A_237 = arith.constant 0 : i32
        %dma_start3A_238 = tpu.memref_slice %arg6[%dma_start3A, %dma_start3A_236, %dma_start3A_237] : memref<7x128x128xf32, #tpu.memory_space<vmem>> -> memref<1x128x128xf32, #tpu.memory_space<vmem>>
        %dma_start3A_239 = tpu.memref_squeeze %dma_start3A_238 : memref<1x128x128xf32, #tpu.memory_space<vmem>> -> memref<128x128xf32, #tpu.memory_space<vmem>>
        tpu.enqueue_dma source(%dma_start3A_239 : memref<128x128xf32, #tpu.memory_space<vmem>>) target(%dma_start3A_235 : memref<128x128xf32, #tpu.memory_space<hbm>>) target_semaphore(%arg15 : memref<!tpu.dma_semaphore, #tpu.memory_space<semaphore_mem>>)
      } else {
      }
    }
    %scan3A_7 = arith.constant 16 : i32
    return
  }
}

</mosaic_0001>

<sc_bundles>
// kernel: kernel.3.cloned.1.call-start
scs
__scs_entry_jumppad:
0x0: {  	(pc) =	sbr.rel $0x88, $3  }
0x1: {  	(tag) =	ssettag $0x0;
	lr =	simm.s32 $0x1  }
0x2: {  	[smem:$0x3F9F] =	sst lr;
	_ =	strace $0xD0000000  }
0x3: {  	_ = 	snop  }
0x4: {  	_ = 	snop  }
0x5: {  	_ = 	snop  }
0x6: {  	_ = 	snop  }
0x7: {  	_ = 	snop  }
__scs_overlays_trampoline_lowered:
0x8: {  	[smem:$0x3FAE] =	sst s0  }
0x9: {  	[smem:$0x3FAF] =	sst s1  }
0xa: {  	[smem:$0x3FB0] =	sst s2  }
0xb: {  	[smem:$0x3FB1] =	sst s3  }
0xc: {  	[smem:$0x3FB2] =	sst s4  }
0xd: {  	[smem:$0x3FB3] =	sst s5  }
0xe: {  	[smem:$0x3FB4] =	sst s6  }
0xf: {  	[smem:$0x3FB5] =	sst s7  }
0x10: {  	[smem:$0x3FB6] =	sst s8  }
0x11: {  	[smem:$0x3FB7] =	sst s9;
	s0 =	simm.s32 @!p0 $0x0  }
0x12: {  	s1 =	sld [smem:$0x3F9D];
	s0 =	simm.s32 @p0 $0x1  }
0x13: {  	[smem:$0x3FB8] =	sst s0;
	s0 =	simm.s32 @!p1 $0x0  }
0x14: {  	s2 =	sld [smem:$0x3F9C];
	s0 =	simm.s32 @p1 $0x1  }
0x15: {  	[smem:$0x3FB9] =	sst s0;
	s0 =	simm.s32 @!p2 $0x0  }
0x16: {  	s3 =	sld [smem:$0x3FDB];
	s0 =	simm.s32 @p2 $0x1  }
0x17: {  	s4 =	simm.s32 $0x1BF5;
	[smem:$0x3FBB] =	sst s0  }
0x18: {  	s0 =	sld [smem:$0x3F9E];
	_ =	swait.ge [sflag:s4], $0x0  }
0x19: {  	s7 =	sld [smem:$0x3F9F]  }
0x1a: {  	s8 =	sadd.s32 $0xFFFFE003, lr  }
0x1b: {  	s9 =	sadd.s32 $0xFFFFFEF7, lr;
	s5 =	simm.s32 $0xFFFFFFFF;
	p2 =	slt.u32 s8, $0xFFFFF086  }
0x1c: {  	p1 =	slt.u32 s9, $0xF7A;
	s5 =	simm.s32 @!p2 $0x0  }
0x1d: {  	s5 =	simm.s32 @p1 $0x1;
	p0 =	seq.s32 s7, s2  }
0x1e: {  	s7 =	smul.u32 @!p0 $0xF7A, s2;
	p2 =	seq.s32 @!p0 s5, $0x0  }
0x1f: {  	s9 =	smul.u32 $0xF7A, s1;
	s8 =	simm.s32 @!p0 $0x1BF5;
	p2 =	por !p2, p0  }
0x20: {  	[sflag:s8] =	ssyncset.s32 @!p0 $0xFFFFF086;
	s6 =	sadd.s32 @!p0 s3, s7;
	s7 =	simm.s32 @!p0 $0x108  }
0x21: {  	s3 =	sadd.s32 s3, s9;
	s6 =	sadd.s32 @!p0 $0x88, s6;
	s7 =	simm.s32 @p2 $0x1082  }
0x22: {  	[simem:s7], [sflag:s8] =	dma.local @!p0 [hbm:s6], $0xF7A  }
0x23: {  	s9 =	sor.u32 $0xD0000000, s2;
	s6 =	simm.s32 $0x108;
	_ =	swait.ge @!p0 [sflag:s8], $0x0  }
0x24: {  	s3 =	sadd.s32 $0x88, s3;
	s6 =	simm.s32 @!p1 $0x1082;
	[sflag:s4] =	ssyncset.s32 $0xFFFFF086  }
0x25: {  	[simem:s6], [sflag:s4] =	dma.local [hbm:s3], $0xF7A  }
0x26: {  	[smem:$0x3F9F] =	sst s1;
	(tag) =	ssettag s2;
	_ =	strace s9  }
0x27: {  	s1 =	sld [smem:$0x3FAF]  }
0x28: {  	s2 =	sld [smem:$0x3FB0]  }
0x29: {  	s4 =	sld [smem:$0x3FB2]  }
0x2a: {  	p0 =	seq.s32 s5, $0x0;
	s5 =	sld [smem:$0x3FB3]  }
0x2b: {  	s6 =	sld [smem:$0x3FB4]  }
0x2c: {  	s7 =	sld [smem:$0x3FB5]  }
0x2d: {  	s3 =	simm.s32 $0x108;
	s8 =	sld [smem:$0x3FB6]  }
0x2e: {  	s3 =	simm.s32 @!p0 $0x1082;
	s9 =	sld [smem:$0x3FB7]  }
0x2f: {  	lr =	sadd.s32 s0, s3;
	s0 =	sld [smem:$0x3FAE]  }
0x30: {  	s3 =	sld [smem:$0x3FB1]  }
0x31: {  	[smem:$0x3FBA] =	sst s10  }
0x32: {  	s10 =	sld [smem:$0x3FB8];
	_ =	sdelay $0x3  }
0x33: {  	p0 =	seq.s32 s10, $0x1;
	s10 =	sld [smem:$0x3FBA];
	_ =	sdelay $0x3  }
0x34: {  	[smem:$0x3FBA] =	sst s10  }
0x35: {  	s10 =	sld [smem:$0x3FB9];
	_ =	sdelay $0x3  }
0x36: {  	p1 =	seq.s32 s10, $0x1;
	s10 =	sld [smem:$0x3FBA];
	_ =	sdelay $0x3  }
0x37: {  	[smem:$0x3FBA] =	sst s10  }
0x38: {  	s10 =	sld [smem:$0x3FBB]  }
0x39: {  	_ = 	snop;
	(pc) =	sbr.ind lr, $3  }
0x3a: {  	_ = 	snop  }
0x3b: {  	_ = 	snop  }
0x3c: {  	p2 =	seq.s32 s10, $0x1;
	s10 =	sld [smem:$0x3FBA]  }
0x3d: {  	_ =	shalt  }
0x3e: {  	_ =	shalt  }
0x3f: {  	_ =	shalt  }
0x40: {  	_ =	shalt  }
0x41: {  	_ =	shalt  }
0x42: {  	_ =	shalt  }
0x43: {  	_ =	shalt  }
0x44: {  	_ =	shalt  }
0x45: {  	_ =	shalt  }
0x46: {  	_ =	shalt  }
0x47: {  	_ =	shalt  }
0x48: {  	_ =	shalt  }
0x49: {  	_ =	shalt  }
0x4a: {  	_ =	shalt  }
0x4b: {  	_ =	shalt  }
0x4c: {  	_ =	shalt  }
0x4d: {  	_ =	shalt  }
0x4e: {  	_ =	shalt  }
0x4f: {  	_ =	shalt  }
0x50: {  	_ =	shalt  }
0x51: {  	_ =	shalt  }
0x52: {  	_ =	shalt  }
0x53: {  	_ =	shalt  }
0x54: {  	_ =	shalt  }
0x55: {  	_ =	shalt  }
0x56: {  	_ =	shalt  }
0x57: {  	_ =	shalt  }
0x58: {  	_ =	shalt  }
0x59: {  	_ =	shalt  }
0x5a: {  	_ =	shalt  }
0x5b: {  	_ =	shalt  }
0x5c: {  	_ =	shalt  }
0x5d: {  	_ =	shalt  }
0x5e: {  	_ =	shalt  }
0x5f: {  	_ =	shalt  }
0x60: {  	_ =	shalt  }
0x61: {  	_ =	shalt  }
0x62: {  	_ =	shalt  }
0x63: {  	_ =	shalt  }
0x64: {  	_ =	shalt  }
0x65: {  	_ =	shalt  }
0x66: {  	_ =	shalt  }
0x67: {  	_ =	shalt  }
0x68: {  	_ =	shalt  }
0x69: {  	_ =	shalt  }
0x6a: {  	_ =	shalt  }
0x6b: {  	_ =	shalt  }
0x6c: {  	_ =	shalt  }
0x6d: {  	_ =	shalt  }
0x6e: {  	_ =	shalt  }
0x6f: {  	_ =	shalt  }
0x70: {  	_ =	shalt  }
0x71: {  	_ =	shalt  }
0x72: {  	_ =	shalt  }
0x73: {  	_ =	shalt  }
0x74: {  	_ =	shalt  }
0x75: {  	_ =	shalt  }
0x76: {  	_ =	shalt  }
0x77: {  	_ =	shalt  }
0x78: {  	_ =	shalt  }
0x79: {  	_ =	shalt  }
0x7a: {  	_ =	shalt  }
0x7b: {  	_ =	shalt  }
0x7c: {  	_ =	shalt  }
0x7d: {  	_ =	shalt  }
0x7e: {  	_ =	shalt  }
0x7f: {  	_ =	shalt  }
0x80: {  	_ =	shalt  }
0x81: {  	_ =	shalt  }
0x82: {  	_ =	shalt  }
0x83: {  	_ =	shalt  }
0x84: {  	_ =	shalt  }
0x85: {  	_ =	shalt  }
0x86: {  	_ =	shalt  }
0x87: {  	_ =	shalt  }
.Lfunc_end0:
.L_simem_size_0:
called_computation_lowered:
.L_overlay_start_0:
0x88: {  	s2 =	sld [smem:$0x3FD9]  }
0x89: {  	s3 =	sld [smem:$0x3FFE];
	_ =	sdelay $0x1  }
0x8a: {  	s1 =	srdreg.scid  }
0x8b: {  	s0 =	sand.u32 $0x1, s1  }
0x8c: {  	s17 =	sshll.u32 s0, $0xA;
	s2 =	sadd.s32 s3, s2  }
0x8d: {  	s2 =	sadd.s32 s2, s17  }
0x8e: {  	[smem:$0x3FC6] =	sst s2  }
0x8f: {  	_ = 	snop  }
0x90: {  	s2 =	sld [smem:$0x3FC9]  }
0x91: {  	s18 =	sld [smem:$0x3FD0];
	(tm) =	ssettm $0x1  }
0x92: {  	s4 =	sld [smem:$0x3FFB];
	_ =	sdelay $0x3  }
0x93: {  	_ =	strace s4  }
0x94: {  	s4 =	sld [smem:$0x3FFC];
	_ =	sdelay $0x3  }
0x95: {  	_ =	strace s4  }
0x96: {  	s4 =	sld [smem:$0x3FFD];
	_ =	sdelay $0x3  }
0x97: {  	_ =	strace s4  }
0x98: {  	_ =	strace $0x8FFFFFFF  }
0x99: {  	s19 =	sld [smem:$0x3FDB];
	_ =	sdelay $0x1  }
0x9a: {  	s5 =	simm.s32 $_scs_section_size  }
0x9b: {  	s6 =	simm.s32 $_size__tile_overlayer_lowered;
	s7 =	simm.s32 $_tile_overlayer_lowered  }
0x9c: {  	s22 =	simm.s32 $0x1BFF;
	s21 =	sshll.u32 s7, $0x1;
	s4 =	sadd.s32 s5, s19  }
0x9d: {  	s8 =	simm.s32 $0x0;
	s20 =	sshll.u32 s6, $0x1;
	s6 =	sadd.s32 s21, s4  }
0x9e: {  	[timem:s8], [sflag:s22] =	dma.local [hbm:s6], s20  }
0x9f: {  	_ =	swait.ge [sflag:s22], s20  }
0xa0: {  	s5 =	ssub.s32 $0x0, s20;
	[sflag:s22] =	ssyncset.done $0x0  }
0xa1: {  	[sflag:s22] =	ssyncadd.s32 s5;
	_ =	sdelay $0x1  }
0xa2: {  	s23 =	simm.s32 $0x1B8B  }
0xa3: {  	_ =	swait.ge [sflag:s23], $0x1  }
0xa4: {  	[sflag:s23] =	ssyncset.done $0x0  }
0xa5: {  	s25 =	simm.s32 $0x1B8E;
	s24 =	sld [smem:$0x3FFE];
	[sflag:s23] =	ssyncadd.s32 $0xFFFFFFFF  }
0xa6: {  	s26 =	simm.s32 $execute0_lowered;
	[smem:$0x3FD2] =	sst s25  }
0xa7: {  	s6 =	sshll.u32 s26, $0x1;
	_ =	strace $0x80000046;
	[dreg:$0x1] =	wrdreg $0xFFFFFFFF  }
0xa8: {  	s28 =	simm.s32 $_size_execute0_lowered;
	s4 =	sadd.s32 s4, s6;
	[dreg:$0x0] =	wrdreg $0x0  }
0xa9: {  	s6 =	sshll.u32 s28, $0x1;
	[dreg:$0x2] =	wrdreg s4  }
0xaa: {  	[dreg:$0x3] =	wrdreg s6  }
0xab: {  	[dreg:$0x4] =	wrdreg $0xC0  }
0xac: {  	_ =	task [dreg:s8], $0x5FFFF  }
0xad: {  	[dreg:$0x1] =	wrdreg $0xFFFFFFFF  }
0xae: {  	[dreg:$0x0] =	wrdreg $0x60  }
0xaf: {  	[dreg:$0x2] =	wrdreg s2  }
0xb0: {  	[dreg:$0x3] =	wrdreg s24  }
0xb1: {  	[dreg:$0x4] =	wrdreg s18  }
0xb2: {  	[dreg:$0x5] =	wrdreg $0x9  }
0xb3: {  	_ =	task.clear_ibuf [dreg:s8], $0x6FFFF;
	_ =	strace $0x90000046  }
0xb4: {  	s29 =	simm.s32 $0x9;
	_ =	strace $0x80000048  }
0xb5: {  	_ =	swait.ge [sflag:s29], $0x1  }
0xb6: {  	[sflag:s29] =	ssyncadd.s32 $0xFFFFFFFF  }
0xb7: {  	_ =	strace $0x90000048  }
0xb8: {  	_ =	sfence  }
0xb9: {  	s30 =	sld [smem:$0x0];
	_ =	sdelay $0x2  }
0xba: {  	s31 =	sshll.u32 s1, $0xD;
	s1 =	sshrl.u32 s1, $0x2  }
0xbb: {  	s3 =	sand.u32 $0x4000, s31;
	s1 =	sadd.s32 s1, s30  }
0xbc: {  	s0 =	sor.u32 s3, s0;
	s1 =	sshll.u32 s1, $0x11  }
0xbd: {  	s0 =	sor.u32 s1, s0  }
0xbe: {  	s0 =	sadd.s32 $0x8F2B, s0  }
0xbf: {  	[sflag:s0] =	ssyncadd.remote.s32 $0x1  }
0xc0: {  	_ =	sfence.sel $0xFFFF  }
0xc1: {  	[dreg:$0x0] =	wrdreg $0xFFFFFFFF;
	(pc) =	sbr.abs _section_cstart, $3  }
0xc2: {  	[dreg:$0x1] =	wrdreg $0xFFFFFFFF  }
0xc3: {  	_ =	task.clear_ibuf [dreg:s8], $0x2FFFF;
	_ =	strace $0x9FFFFFFF  }
0xc4: {  	(tm) =	ssettm $0x7FFFFFFF  }
0xc5: {  	_ =	shalt  }
tec
execute0_lowered:
.L_overlay_start_1:
0x0: {  	(tag) =	ssettag $0x1  }
0x1: {  	s1 =	rddreg [dreg:$0x0]  }
0x2: {  	s0 =	srdreg.scid;
	s3 =	stileid.u32  }
0x3: {  	s2 =	rddreg [dreg:$0x1];
	s10 =	simm.s32 $0x3;
	s12 =	simm.s32 $0x4  }
0x4: {  	s13 =	simm.s32 $0x1;
	s15 =	simm.s32 $0x5;
	s16 =	simm.s32 $0x13400  }
0x5: {  	s17 =	simm.s32 $0x6;
	s18 =	simm.s32 $0x17400;
	s19 =	simm.s32 $0xD  }
0x6: {  	s20 =	simm.s32 $0x80;
	s21 =	simm.s32 $0x7;
	s22 =	simm.s32 $0x1B400  }
0x7: {  	s23 =	simm.s32 $0x3400;
	s0 =	sand.u32 $0x1, s0;
	s4 =	sshll.u32 s3, $0x1  }
0x8: {  	s24 =	simm.s32 $0xE;
	s25 =	simm.s32 $0x2;
	s5 =	sor.u32 s0, s4  }
0x9: {  	s3 =	rddreg [dreg:$0x2];
	s0 =	ssub.s32 $0x2, s0;
	s6 =	smul.u32 $0x680, s5  }
.Ltmp0:
0xa: {  	s4 =	simm.s32 $0x0;
	s31 =	sshrl.u32 s0, $0x1;
	(pc) =	sbr.rel .LBB2_1-.Ltmp0, $4  }
0xb: {  	s26 =	simm.s32 $0x7400;
	[smem:$0x7FF] =	sst s4;
	s0 =	ssub.s32 s0, s31  }
0xc: {  	s7 =	sshll.u32 s5, $0x10;
	s2 =	sadd.s32 s6, s2;
	s0 =	smax.u32 s0, $0x1  }
0xd: {  	_ =	strace $0x80000047;
	s2 =	sadd.s32 $0x400, s2;
	[dreg:$0x5] =	wrdreg s0  }
0xe: {  	s6 =	sshll.u32 s5, $0x9;
	[dreg:$0x4] =	wrdreg s2;
	s2 =	simm.s32 $0x0  }
.LBB2_26:
0xf: {  	_ =	swait.ge [sflag:s19], $0x4000  }
0x10: {  	[sflag:s19] =	ssyncset.done $0x0  }
0x11: {  	[sflag:s19] =	ssyncadd.s32 $0xFFFFC000  }
.LBB2_24:
0x12: {  	s2 =	rddreg [dreg:$0x6]  }
0x13: {  	s0 =	rddreg [dreg:$0x5];
	s2 =	sadd.s32 $0x1, s2  }
0x14: {  	p0 =	sne.s32 s2, s0  }
.Ltmp1:
0x15: {  	_ = 	snop;
	(pc) =	sbr.rel @!p0 .LBB2_25-.Ltmp1, $1  }
0x16: {  	_ =	sdelay $0x3  }
.LBB2_1:
0x17: {  	[dreg:$0x6] =	wrdreg s2  }
0x18: {  	s0 =	rddreg [dreg:$0x4]  }
.Ltmp2:
0x19: {  	s28 =	simm.s32 $0xF;
	s29 =	simm.s32 $0xFFFF0000;
	(pc) =	sbr.rel .LBB2_2-.Ltmp2, $4  }
0x1a: {  	[tilespmem:s4], [sflag:$0xF] =	stream.linear.gather [hbm4b:s0+s4], $0x3400, $0x38;
	[tilespmem:$0x1F400] =	vst v63  }
0x1b: {  	s30 =	simm.s32 $0xFFFFFF80;
	s31 =	simm.s32 $0x0;
	_ =	swait.ge [sflag:s28], $0x3400  }
0x1c: {  	s2 =	simm.s32 $0x0;
	s5 =	simm.s32 $0x0;
	[sflag:s28] =	ssyncset.done $0x0  }
0x1d: {  	s8 =	simm.s32 $0x0;
	s0 =	simm.s32 $0x1;
	[sflag:s28] =	ssyncadd.s32 $0xFFFFCC00  }
.LBB2_22:
0x1e: {  	s11 =	sadd.s32 $0x300, s11  }
0x1f: {  	[tilespmem:s22], [sflag:$0x7] =	stream.indirect.gather [hbm4b:s1+s20], $0x80, s11, s20, $0xb8;
	[tilespmem:$0x1F400] =	vst v63  }
.LBB2_23:
0x20: {  	s11 =	sshll.u32 s9, $0x7;
	s28 =	sshll.u32 s9, $0x10  }
0x21: {  	_ =	swait.ge [sflag:s25], $0x4000;
	s8 =	sadd.s32 $0x1, s8;
	s0 =	sadd.s32 $0x7, s0  }
0x22: {  	s5 =	sadd.s32 $0x380, s5;
	s2 =	sadd.s32 $0x380000, s2;
	p0 =	sne.s32 s0, $0x71  }
.Ltmp3:
0x23: {  	s31 =	sadd.s32 $0x180, s31;
	s11 =	sand.u32 $0x180, s11;
	(pc) =	sbr.rel @!p0 .LBB2_24-.Ltmp3, $4  }
0x24: {  	s29 =	sadd.s32 $0x70000, s29;
	s9 =	sand.u32 $0x7C0000, s28;
	s11 =	sor.u32 s6, s11  }
0x25: {  	[sflag:s25] =	ssyncset.done $0x0;
	s9 =	sadd.s32 s3, s9;
	s11 =	sshll.u32 s11, $0x4  }
0x26: {  	s30 =	sadd.s32 $0x380, s30;
	[sflag:s25] =	ssyncadd.s32 $0xFFFFC000;
	s9 =	sadd.s32 s11, s9  }
0x27: {  	[hbm4b:s9+s4] =	stream.linear.scatter [tilespmem:s26], [sflag:$0x9], $0x4000, $0x38;
	[tilespmem:$0x1F400] =	vst v63  }
.LBB2_2:
0x28: {  	s9 =	sadd.s32 $0xFFFFFFF8, s0  }
0x29: {  	p1 =	sgt.u32 s9, $0x67  }
0x2a: {  	s9 =	simm.s32 @!p1 $0x8  }
0x2b: {  	p0 =	seq.s32 s0, $0x6A;
	_ =	swait.ge @!p1 [sflag:s9], $0x4000  }
0x2c: {  	s28 =	sadd.s32 @!p0 $0xFFFFFFFA, s0;
	[sflag:s9] =	ssyncset.done @!p1 $0x0  }
0x2d: {  	[sflag:s9] =	ssyncadd.s32 @!p1 $0xFFFFC000;
	p1 =	sgt.u32 @!p0 s28, $0x67  }
0x2e: {  	p1 =	por p0, !p1  }
.Ltmp4:
0x2f: {  	_ = 	snop;
	(pc) =	sbr.rel @!p1 .LBB2_4-.Ltmp4, $4  }
0x30: {  	_ = 	snop  }
0x31: {  	s11 =	simm.s32 @!p0 $0x80;
	s9 =	simm.s32 @!p0 $0x3400  }
0x32: {  	[tilespmem:s9], [sflag:$0x1] =	stream.indirect.gather @!p0 [hbm4b:s1+s11], $0x80, s5, s11, $0xb8;
	[tilespmem:$0x1F400] =	vst v63  }
0x33: {  	s9 =	smul.u32 $0x7, s8  }
0x34: {  	s28 =	simm.s32 @p0 $0x64  }
0x35: {  	s14 =	sshll.u32 s28, $0x7  }
0x36: {  	s28 =	sshll.u32 s28, $0x10;
	s14 =	sand.u32 $0x180, s14  }
0x37: {  	_ =	swait.ge [sflag:s10], $0x4000;
	s28 =	sand.u32 $0x7C0000, s28;
	s14 =	sor.u32 s6, s14  }
0x38: {  	[sflag:s10] =	ssyncset.done $0x0;
	s28 =	sadd.s32 s3, s28;
	s14 =	sshll.u32 s14, $0x4  }
0x39: {  	[sflag:s10] =	ssyncadd.s32 $0xFFFFC000;
	s14 =	sadd.s32 s14, s28;
	s28 =	simm.s32 $0xB400  }
0x3a: {  	[hbm4b:s14+s4] =	stream.linear.scatter [tilespmem:s28], [sflag:$0xA], $0x4000, $0x38;
	[tilespmem:$0x1F400] =	vst v63  }
0x3b: {  	s28 =	sadd.s32 $0xFFFFFFF9, s0  }
0x3c: {  	p1 =	sgt.u32 s28, $0x67  }
0x3d: {  	s14 =	simm.s32 @!p1 $0x9  }
0x3e: {  	_ =	swait.ge @!p1 [sflag:s14], $0x4000  }
.Ltmp5:
0x3f: {  	[sflag:s14] =	ssyncset.done @!p1 $0x0;
	(pc) =	sbr.rel .LBB2_6-.Ltmp5, $4  }
0x40: {  	s28 =	simm.s32 @!p0 $0x7400;
	[sflag:s14] =	ssyncadd.s32 @!p1 $0xFFFFC000;
	s14 =	sadd.s32 @!p0 $0x80, s5  }
0x41: {  	[tilespmem:s28], [sflag:$0x2] =	stream.indirect.gather @!p0 [hbm4b:s1+s11], $0x80, s14, s11, $0xb8;
	[tilespmem:$0x1F400] =	vst v63  }
0x42: {  	p2 =	por @!p0 $0x1, $0x1;
	p1 =	por $0x1, $0x1;
	s11 =	sadd.s32 @!p0 $0xFFFFFFFB, s0  }
0x43: {  	s9 =	sadd.s32 $0x1, s9;
	p1 =	por @!p0 p2, p2;
	s11 =	simm.s32 @p0 $0x65  }
.LBB2_4:
0x44: {  	s28 =	sadd.s32 $0xFFFFFFFB, s0  }
0x45: {  	p1 =	sgt.u32 s28, $0x67  }
.Ltmp6:
0x46: {  	_ = 	snop;
	(pc) =	sbr.rel @p1 .LBB2_7-.Ltmp6, $3  }
0x47: {  	_ =	sdelay $0x1  }
0x48: {  	s11 =	sadd.s32 $0x80, s5  }
0x49: {  	[tilespmem:s26], [sflag:$0x2] =	stream.indirect.gather [hbm4b:s1+s20], $0x80, s11, s20, $0xb8;
	[tilespmem:$0x1F400] =	vst v63  }
0x4a: {  	s9 =	sadd.s32 $0x1, s9;
	p1 =	por $0x0, $0x0;
	s11 =	simm.s32 $0x0  }
.LBB2_6:
0x4b: {  	s14 =	sadd.s32 $0xFFFFFFFF, s0  }
0x4c: {  	s14 =	sand.u32 $0x3, s14  }
0x4d: {  	p2 =	seq.s32 s11, $0x0;
	p3 =	sne.s32 s14, $0x0  }
0x4e: {  	p2 =	por !p3, !p2  }
0x4f: {  	s28 =	simm.s32 $0x1;
	p2 =	por !p2, !p2  }
0x50: {  	s11 =	sshrl.u32 s11, $0x2;
	s28 =	simm.s32 @!p2 $0x0  }
0x51: {  	s14 =	sshll.u32 s14, $0xE;
	s11 =	ssub.s32 s11, s28  }
0x52: {  	s14 =	sor.u32 s7, s14;
	s11 =	sshll.u32 s11, $0x15  }
0x53: {  	_ =	swait.ge [sflag:s12], $0x4000;
	s11 =	sor.u32 s14, s11  }
0x54: {  	[sflag:s12] =	ssyncset.done $0x0;
	s11 =	sshrl.u32 s11, $0x3  }
0x55: {  	[sflag:s12] =	ssyncadd.s32 $0xFFFFC000;
	s28 =	simm.s32 $0xF400;
	s11 =	sadd.s32 s3, s11  }
0x56: {  	[hbm4b:s11+s4] =	stream.linear.scatter [tilespmem:s28], [sflag:$0xB], $0x4000, $0x38;
	[tilespmem:$0x1F400] =	vst v63  }
0x57: {  	s11 =	simm.s32 @p1 $0xA  }
0x58: {  	_ =	swait.ge @p1 [sflag:s11], $0x4000  }
0x59: {  	s14 =	simm.s32 @!p0 $0x80;
	[sflag:s11] =	ssyncset.done @p1 $0x0  }
0x5a: {  	s28 =	simm.s32 @!p0 $0xB400;
	[sflag:s11] =	ssyncadd.s32 @p1 $0xFFFFC000;
	s11 =	sadd.s32 @!p0 $0x100, s5  }
0x5b: {  	[tilespmem:s28], [sflag:$0x3] =	stream.indirect.gather @!p0 [hbm4b:s1+s14], $0x80, s11, s14, $0xb8;
	[tilespmem:$0x1F400] =	vst v63  }
0x5c: {  	p2 =	por @!p0 $0x1, $0x1;
	p1 =	por $0x1, $0x1;
	s11 =	sadd.s32 @!p0 $0xFFFFFFFC, s0  }
0x5d: {  	p1 =	por @!p0 p2, p2;
	s11 =	simm.s32 @p0 $0x66  }
.LBB2_9:
0x5e: {  	s14 =	sshll.u32 s11, $0x7  }
0x5f: {  	s28 =	sshll.u32 s11, $0x10;
	s14 =	sand.u32 $0x180, s14  }
0x60: {  	_ =	swait.ge [sflag:s15], $0x4000;
	s11 =	sand.u32 $0x7C0000, s28;
	s14 =	sor.u32 s6, s14  }
0x61: {  	[sflag:s15] =	ssyncset.done $0x0;
	s11 =	sadd.s32 s3, s11;
	s14 =	sshll.u32 s14, $0x4  }
0x62: {  	[sflag:s15] =	ssyncadd.s32 $0xFFFFC000;
	s11 =	sadd.s32 s14, s11  }
0x63: {  	[hbm4b:s11+s4] =	stream.linear.scatter [tilespmem:s16], [sflag:$0xC], $0x4000, $0x38;
	[tilespmem:$0x1F400] =	vst v63  }
0x64: {  	s11 =	simm.s32 @p1 $0xB  }
0x65: {  	_ =	swait.ge @p1 [sflag:s11], $0x4000  }
0x66: {  	s28 =	simm.s32 @!p0 $0xF400;
	[sflag:s11] =	ssyncset.done @p1 $0x0  }
0x67: {  	s14 =	simm.s32 @!p0 $0x80;
	[sflag:s11] =	ssyncadd.s32 @p1 $0xFFFFC000;
	s11 =	sadd.s32 @!p0 $0x180, s5  }
0x68: {  	[tilespmem:s28], [sflag:$0x4] =	stream.indirect.gather @!p0 [hbm4b:s1+s14], $0x80, s11, s14, $0xb8;
	[tilespmem:$0x1F400] =	vst v63  }
0x69: {  	p2 =	por @!p0 $0x1, $0x1;
	p1 =	por $0x1, $0x1;
	s11 =	sadd.s32 @!p0 $0xFFFFFFFD, s0  }
0x6a: {  	p1 =	por @!p0 p2, p2;
	s11 =	simm.s32 @p0 $0x67  }
.LBB2_12:
0x6b: {  	s14 =	sshll.u32 s11, $0x7  }
0x6c: {  	s28 =	sshll.u32 s11, $0x10;
	s14 =	sand.u32 $0x180, s14  }
0x6d: {  	_ =	swait.ge [sflag:s17], $0x4000;
	s11 =	sand.u32 $0x7C0000, s28;
	s14 =	sor.u32 s6, s14  }
0x6e: {  	[sflag:s17] =	ssyncset.done $0x0;
	s11 =	sadd.s32 s3, s11;
	s14 =	sshll.u32 s14, $0x4  }
0x6f: {  	[sflag:s17] =	ssyncadd.s32 $0xFFFFC000;
	s11 =	sadd.s32 s14, s11  }
0x70: {  	[hbm4b:s11+s4] =	stream.linear.scatter [tilespmem:s18], [sflag:$0xD], $0x4000, $0x38;
	[tilespmem:$0x1F400] =	vst v63  }
.Ltmp7:
0x71: {  	_ = 	snop;
	(pc) =	sbr.rel @p0 .LBB2_26-.Ltmp7, $4  }
0x72: {  	s11 =	simm.s32 @p1 $0xC  }
0x73: {  	_ =	swait.ge @p1 [sflag:s11], $0x4000  }
0x74: {  	[sflag:s11] =	ssyncset.done @p1 $0x0  }
0x75: {  	[sflag:s11] =	ssyncadd.s32 @p1 $0xFFFFC000  }
0x76: {  	p2 =	slt.u32 s8, $0xF  }
.Ltmp8:
0x77: {  	_ = 	snop;
	(pc) =	sbr.rel @!p2 .LBB2_18-.Ltmp8, $4  }
0x78: {  	_ = 	snop  }
0x79: {  	s11 =	sadd.s32 $0x200, s5  }
0x7a: {  	[tilespmem:s16], [sflag:$0x5] =	stream.indirect.gather [hbm4b:s1+s20], $0x80, s11, s20, $0xb8;
	[tilespmem:$0x1F400] =	vst v63  }
0x7b: {  	p0 =	por $0x0, $0x0;
	p1 =	por $0x1, $0x1;
	s11 =	smov.u32 s5  }
.LBB2_17:
0x7c: {  	p2 =	por p1, p1  }
.Ltmp9:
0x7d: {  	s14 =	sand.u32 $0x180, s30;
	_ =	swait.ge [sflag:s21], $0x4000;
	(pc) =	sbr.rel @!p2 .LBB2_19-.Ltmp9, $4  }
0x7e: {  	s28 =	sand.u32 $0x7C0000, s29;
	p0 =	por $0x1, $0x1;
	s14 =	sor.u32 s6, s14  }
0x7f: {  	[sflag:s21] =	ssyncset.done $0x0;
	s28 =	sadd.s32 s3, s28;
	s14 =	sshll.u32 s14, $0x4  }
0x80: {  	p1 =	por $0x1, $0x1;
	[sflag:s21] =	ssyncadd.s32 $0xFFFFC000;
	s14 =	sadd.s32 s14, s28  }
0x81: {  	[hbm4b:s14+s4] =	stream.linear.scatter [tilespmem:s22], [sflag:$0xE], $0x4000, $0x38;
	[tilespmem:$0x1F400] =	vst v63  }
.LBB2_18:
0x82: {  	_ =	swait.ge [sflag:s19], $0x4000  }
0x83: {  	[sflag:s19] =	ssyncset.done $0x0  }
0x84: {  	p1 =	por p0, p0;
	[sflag:s19] =	ssyncadd.s32 $0xFFFFC000  }
.LBB2_19:
0x85: {  	s14 =	sadd.s32 $0x280, s11;
	s28 =	sand.u32 $0x180, s31  }
0x86: {  	[tilespmem:s18], [sflag:$0x6] =	stream.indirect.gather [hbm4b:s1+s20], $0x80, s14, s20, $0xb8;
	[tilespmem:$0x1F400] =	vst v63  }
0x87: {  	s14 =	sor.u32 s6, s28  }
.Ltmp10:
0x88: {  	s28 =	sand.u32 $0x3E00000, s2;
	s14 =	sshll.u32 s14, $0x7;
	(pc) =	sbr.rel @!p1 .LBB2_21-.Ltmp10, $4  }
0x89: {  	_ =	swait.ge [sflag:s13], $0x4000;
	s14 =	sor.u32 s28, s14  }
0x8a: {  	[sflag:s13] =	ssyncset.done $0x0;
	s14 =	sshrl.u32 s14, $0x3  }
0x8b: {  	[sflag:s13] =	ssyncadd.s32 $0xFFFFC000;
	s14 =	sadd.s32 s3, s14  }
0x8c: {  	[hbm4b:s14+s4] =	stream.linear.scatter [tilespmem:s23], [sflag:$0x8], $0x4000, $0x38;
	[tilespmem:$0x1F400] =	vst v63  }
0x8d: {  	p0 =	slt.u32 s8, $0xE  }
.Ltmp11:
0x8e: {  	_ = 	snop;
	(pc) =	sbr.rel @p0 .LBB2_22-.Ltmp11, $4  }
.Ltmp12:
0x8f: {  	_ = 	snop;
	(pc) =	sbr.rel @!p0 .LBB2_23-.Ltmp12, $4  }
0x90: {  	_ =	swait.ge [sflag:s24], $0x4000  }
0x91: {  	[sflag:s24] =	ssyncset.done $0x0  }
0x92: {  	[sflag:s24] =	ssyncadd.s32 $0xFFFFC000  }
0x93: {  	_ = 	snop  }
.LBB2_21:
0x94: {  	p0 =	sgt.u32 s8, $0xD  }
.Ltmp13:
0x95: {  	_ = 	snop;
	(pc) =	sbr.rel @p0 .LBB2_23-.Ltmp13, $4  }
.Ltmp14:
0x96: {  	_ = 	snop;
	(pc) =	sbr.rel @!p0 .LBB2_22-.Ltmp14, $4  }
0x97: {  	_ = 	snop  }
0x98: {  	_ = 	snop  }
0x99: {  	_ = 	snop  }
0x9a: {  	_ = 	snop  }
.LBB2_7:
0x9b: {  	s28 =	sadd.s32 $0xFFFFFFFC, s0  }
0x9c: {  	p1 =	sgt.u32 s28, $0x67  }
.Ltmp15:
0x9d: {  	_ = 	snop;
	(pc) =	sbr.rel @p1 .LBB2_10-.Ltmp15, $3  }
0x9e: {  	_ =	sdelay $0x1  }
0x9f: {  	s9 =	sadd.s32 $0x100, s5;
	s11 =	simm.s32 $0xB400  }
0xa0: {  	[tilespmem:s11], [sflag:$0x3] =	stream.indirect.gather [hbm4b:s1+s20], $0x80, s9, s20, $0xb8;
	[tilespmem:$0x1F400] =	vst v63  }
.Ltmp16:
0xa1: {  	(pc) =	sbr.rel .LBB2_9-.Ltmp16, $2  }
0xa2: {  	_ =	sdelay $0x2  }
0xa3: {  	p1 =	por $0x0, $0x0;
	s11 =	simm.s32 $0x0;
	s9 =	smov.u32 s0  }
.LBB2_10:
0xa4: {  	s28 =	sadd.s32 $0xFFFFFFFD, s0  }
0xa5: {  	p1 =	sgt.u32 s28, $0x67  }
.Ltmp17:
0xa6: {  	_ = 	snop;
	(pc) =	sbr.rel @p1 .LBB2_14-.Ltmp17, $3  }
0xa7: {  	_ =	sdelay $0x1  }
0xa8: {  	s9 =	sadd.s32 $0x180, s5;
	s11 =	simm.s32 $0xF400  }
0xa9: {  	[tilespmem:s11], [sflag:$0x4] =	stream.indirect.gather [hbm4b:s1+s20], $0x80, s9, s20, $0xb8;
	[tilespmem:$0x1F400] =	vst v63  }
.Ltmp18:
0xaa: {  	(pc) =	sbr.rel .LBB2_12-.Ltmp18, $2  }
0xab: {  	_ =	sdelay $0x2  }
0xac: {  	p1 =	por $0x0, $0x0;
	s11 =	simm.s32 $0x0;
	s9 =	smov.u32 s0  }
.LBB2_14:
0xad: {  	s28 =	sadd.s32 $0xFFFFFFFE, s0  }
0xae: {  	p2 =	sgt.u32 s28, $0x67  }
.Ltmp19:
0xaf: {  	_ = 	snop;
	(pc) =	sbr.rel @p2 .LBB2_15-.Ltmp19, $3  }
0xb0: {  	_ =	sdelay $0x1  }
0xb1: {  	s9 =	sadd.s32 $0x200, s5;
	p1 =	por $0x0, $0x0  }
0xb2: {  	[tilespmem:s16], [sflag:$0x5] =	stream.indirect.gather [hbm4b:s1+s20], $0x80, s9, s20, $0xb8;
	[tilespmem:$0x1F400] =	vst v63  }
.Ltmp20:
0xb3: {  	(pc) =	sbr.rel .LBB2_17-.Ltmp20, $3  }
0xb4: {  	_ = 	snop  }
0xb5: {  	s9 =	smul.u32 @!p0 $0xE00, s8;
	_ =	sdelay $0x1  }
0xb6: {  	s11 =	sshra.s32 @!p0 s9, $0x2;
	s9 =	smov.u32 s0  }
.LBB2_15:
.Ltmp21:
0xb7: {  	(pc) =	sbr.rel .LBB2_19-.Ltmp21, $2  }
0xb8: {  	_ =	sdelay $0x2  }
0xb9: {  	s11 =	smov.u32 s5;
	s9 =	smov.u32 s0  }
.LBB2_25:
0xba: {  	_ =	sfence.sel $0x180000  }
0xbb: {  	[bflag:$0x0] =	sbarrier.arrive $0xFFFF  }
0xbc: {  	_ =	strace $0x90000047  }
0xbd: {  	s0 =	stileid.u32;
	[bflag:$0x2] =	sbarrier.arrive $0xFFFF  }
0xbe: {  	p0 =	sne.s32 s0, $0x0;
	s0 =	rddreg [dreg:$0x3]  }
0xbf: {  	s0 =	sadd.s32 @!p0 $0x100000, s0  }
0xc0: {  	[sflag:s0] =	ssyncadd.tile.s32 @!p0 $0x1;
	_ =	shalt  }
.Lfunc_end2:
_tile_overlayer_lowered:
.L_overlay_start_2:
0xc1: {  	(tag) =	ssettag $0x2  }
0xc2: {  	s0 =	rddreg [dreg:$0x0];
	s2 =	stileid.u32  }
0xc3: {  	s1 =	rddreg [dreg:$0x1];
	p0 =	sne.s32 s2, $0x0  }
0xc4: {  	s3 =	rddreg [dreg:$0x2];
	[bflag:$0x3] =	sbarrier.arrive $0xFFFF;
	s2 =	simm.s32 @!p0 $0x1C0F  }
0xc5: {  	[timem:s3], [sflag:s2] =	dma.local @!p0 [hbm:s0], s1  }
0xc6: {  	s0 =	simm.s32 @!p0 $0xF  }
0xc7: {  	_ =	swait.ge @!p0 [sflag:s0], s1  }
0xc8: {  	s1 =	ssub.s32 @!p0 $0x0, s1;
	[sflag:s0] =	ssyncset.done @!p0 $0x0  }
0xc9: {  	[sflag:s0] =	ssyncadd.s32 @!p0 s1  }
0xca: {  	[bflag:$0x3] =	sbarrier.arrive $0xFFFF  }
0xcb: {  	_ =	shalt  }

</sc_bundles>
